<compile_context>
chip_gen: v7x
topology: tpu7x:2x2x1
jax: 0.10.2.dev20260603
libtpu: 0.0.44.dev20260713+nightly
codegen_flags: <defaults>
</compile_context>

<pallas_src>
import jax
import jax.numpy as jnp
from jax import lax
from jax.experimental import pallas as pl
from jax.experimental.pallas import tpu as pltpu
from jax.experimental.pallas import tpu_sc as plsc

N = 10000
E = 320000
F = 128
G = 64
NLAYER = 3
C = 2

NC = 2
NS = 16
NW = NC * NS
CH = 80
NCHUNK = 125
EPW = NCHUNK * CH
EPAD = NW * EPW
NP = 10240
RPT = NP // NS

def _segment_sum_sc(h, src3, dst3, zeros):
    f = pl.kernel(
        _segsum_body,
        out_type=jax.ShapeDtypeStruct((NC, NP, F), jnp.float32),
        mesh=plsc.VectorSubcoreMesh(core_axis_name="c", subcore_axis_name="s"),
        scratch_types=[
            pltpu.VMEM((NCHUNK, CH), jnp.int32),
            pltpu.VMEM((NCHUNK, CH), jnp.int32),
            pltpu.VMEM((CH, F), jnp.float32),
            pltpu.VMEM_SHARED((NP, F), jnp.float32),
            pltpu.SemaphoreType.DMA,
        ],
    )
    return f(h, src3, dst3, zeros)


def _segsum_body(h_hbm, src_hbm, dst_hbm, zero_hbm, out_hbm,
                 sidx, didx, rows, acc, sem):
    c = lax.axis_index("c")
    s = lax.axis_index("s")
    w = s * NC + c
    pltpu.sync_copy(src_hbm.at[w], sidx)
    pltpu.sync_copy(dst_hbm.at[w], didx)
    pltpu.sync_copy(zero_hbm.at[pl.ds(s * RPT, RPT)],
                    acc.at[pl.ds(s * RPT, RPT)])
    plsc.subcore_barrier()

    def chunk(j, carry):
        pltpu.async_copy(h_hbm.at[sidx.at[j]], rows, sem).wait()
        pltpu.sync_copy(rows, acc.at[didx.at[j]], add=True)
        return carry

    lax.fori_loop(0, NCHUNK, chunk, 0)
    plsc.subcore_barrier()
    pltpu.sync_copy(acc.at[pl.ds(s * RPT, RPT)],
                    out_hbm.at[c, pl.ds(s * RPT, RPT)])


def _gin_mlp(p_ref, h_ref, w1_ref, b1_ref, g1_ref, be1_ref,
             w2_ref, b2_ref, g2_ref, be2_ref, gp_ref, bp_ref):
    out = p_ref[0, :N, :] + p_ref[1, :N, :] + h_ref[...]
    m1 = jnp.dot(out, w1_ref[...], preferred_element_type=jnp.float32)
    m1 = m1 + b1_ref[...]
    mu1 = jnp.mean(m1, axis=0, keepdims=True)
    d1 = m1 - mu1
    v1 = jnp.mean(d1 * d1, axis=0, keepdims=True)
    a1 = g1_ref[...] * lax.rsqrt(v1 + 1e-5)
    n1 = d1 * a1 + be1_ref[...]
    m2 = jnp.dot(n1, w2_ref[...],
                 preferred_element_type=jnp.float32) + b2_ref[...]
    mu2 = jnp.mean(m2, axis=0, keepdims=True)
    d2 = m2 - mu2
    v2 = jnp.mean(d2 * d2, axis=0, keepdims=True)
    a2 = g2_ref[...] * lax.rsqrt(v2 + 1e-5)
    scale = a2 * gp_ref[...] * lax.rsqrt(a2 * a2 * v2 + 1e-5)
    return jnp.maximum((m2 - mu2) * scale + bp_ref[...], 0.0)


def _mlp_body(p_ref, h_ref, w1_ref, b1_ref, g1_ref, be1_ref,
              w2_ref, b2_ref, g2_ref, be2_ref, gp_ref, bp_ref, o_ref):
    o_ref[...] = _gin_mlp(p_ref, h_ref, w1_ref, b1_ref, g1_ref, be1_ref,
                          w2_ref, b2_ref, g2_ref, be2_ref, gp_ref, bp_ref)


def _mlp_pool_body(p_ref, h_ref, w1_ref, b1_ref, g1_ref, be1_ref,
                   w2_ref, b2_ref, g2_ref, be2_ref, gp_ref, bp_ref,
                   bidx_ref, wfc_ref, bfc_ref, o_ref, pool_scr, hf_scr):
    hf = _gin_mlp(p_ref, h_ref, w1_ref, b1_ref, g1_ref, be1_ref,
                  w2_ref, b2_ref, g2_ref, be2_ref, gp_ref, bp_ref)
    hf_scr[...] = hf
    bidx = bidx_ref[...]

    def g_body(g, s0):
        s1 = jnp.sum((bidx <= g).astype(jnp.int32))
        nstrips = (s1 - s0 + 31) // 32

        def strip(k, acc):
            kc = jnp.minimum(s0 + 32 * k, N - 32)
            blk = hf_scr[pl.ds(kc, 32), :]
            rid = kc + lax.broadcasted_iota(jnp.int32, (32, 1), 0)
            ok = (rid >= s0) & (rid < s1)
            return jnp.maximum(acc, jnp.max(jnp.where(ok, blk, -jnp.inf),
                                            axis=0, keepdims=True))

        acc = lax.fori_loop(0, nstrips, strip,
                            jnp.full((1, F), -jnp.inf, jnp.float32))
        pool_scr[pl.ds(g, 1), :] = acc
        return s1

    lax.fori_loop(0, G, g_body, jnp.int32(0))
    o_ref[...] = (jnp.dot(pool_scr[...], wfc_ref[...],
                          preferred_element_type=jnp.float32) + bfc_ref[...])


def _mlp_layer(parts, h, w1, b1, g1, be1, w2, b2, g2, be2, gp, bp):
    return pl.pallas_call(
        _mlp_body,
        out_shape=jax.ShapeDtypeStruct((N, F), jnp.float32),
    )(parts, h, w1, b1, g1, be1, w2, b2, g2, be2, gp, bp)


def _mlp_pool_layer(parts, h, w1, b1, g1, be1, w2, b2, g2, be2, gp, bp,
                    bidx, wfc, bfc):
    return pl.pallas_call(
        _mlp_pool_body,
        out_shape=jax.ShapeDtypeStruct((G, F), jnp.float32),
        scratch_shapes=[pltpu.VMEM((G, F), jnp.float32),
                        pltpu.VMEM((N, F), jnp.float32)],
    )(parts, h, w1, b1, g1, be1, w2, b2, g2, be2, gp, bp, bidx, wfc, bfc)


def kernel(x, edge_index, batch, W1, b1, g1, be1, W2, b2, g2, be2,
           gp, bp, Wfc, bfc):
    src3 = edge_index[0].reshape(NW, NCHUNK, CH)
    dst3 = edge_index[1].reshape(NW, NCHUNK, CH)
    zeros = jnp.zeros((NP, F), jnp.float32)
    bidx = batch.reshape(N, 1)
    wfc_pad = jnp.zeros((F, F), jnp.float32).at[:, :C].set(Wfc)
    bfc_pad = jnp.zeros((1, F), jnp.float32).at[0, :C].set(bfc)

    h = x
    for l in range(NLAYER):
        parts = _segment_sum_sc(h, src3, dst3, zeros)
        args = (parts, h,
                W1[l], b1[l].reshape(1, F), g1[l].reshape(1, F),
                be1[l].reshape(1, F), W2[l], b2[l].reshape(1, F),
                g2[l].reshape(1, F), be2[l].reshape(1, F),
                gp[l].reshape(1, F), bp[l].reshape(1, F))
        if l < NLAYER - 1:
            h = _mlp_layer(*args)
        else:
            logits_pad = _mlp_pool_layer(*args, bidx, wfc_pad, bfc_pad)
    return logits_pad[:, :C]

# --- scband reference (transcript-rebuilt; emitter-appended) ---
"""Pipeline reference for scband-gnn-59863254171698 (READ-ONLY COPY).

The authoritative reference and input builder live on the scoring server;
editing this copy changes nothing except your own understanding.
"""

import jax, jax.numpy as jnp
import numpy as np

N = 10000
E = 320000
F = 128
D = 128
C = 2
G = 64
L = 3


def _bn(h, gamma, beta):
    # torch.nn.BatchNorm1d in training mode: biased variance, eps=1e-5
    m = h.mean(axis=0)
    v = h.var(axis=0)
    return (h - m) / jnp.sqrt(v + 1e-5) * gamma + beta


def setup_inputs(seed: int = 0) -> dict:
    key = jax.random.key(seed)
    ks = jax.random.split(key, 8)
    s = 0.05
    x = jax.random.normal(ks[0], (N, F), dtype=jnp.float32)
    edge_index = jax.random.randint(ks[1], (2, E), 0, N, dtype=jnp.int32)
    batch = jnp.sort(jax.random.randint(ks[2], (N,), 0, G, dtype=jnp.int32))
    # All layers have identical shapes since F == D == 128, so stack per-layer params.
    W1 = jax.random.normal(ks[3], (L, F, D), dtype=jnp.float32) * s
    b1 = jnp.zeros((L, D), dtype=jnp.float32)
    g1 = jnp.ones((L, D), dtype=jnp.float32)
    be1 = jnp.zeros((L, D), dtype=jnp.float32)
    W2 = jax.random.normal(ks[4], (L, D, D), dtype=jnp.float32) * s
    b2 = jnp.zeros((L, D), dtype=jnp.float32)
    g2 = jnp.ones((L, D), dtype=jnp.float32)
    be2 = jnp.zeros((L, D), dtype=jnp.float32)
    gp = jnp.ones((L, D), dtype=jnp.float32)
    bp = jnp.zeros((L, D), dtype=jnp.float32)
    Wfc = jax.random.normal(ks[5], (D, C), dtype=jnp.float32) * s
    bfc = jnp.zeros((C,), dtype=jnp.float32)
    return {"x": x, "edge_index": edge_index, "batch": batch,
            "W1": W1, "b1": b1, "g1": g1, "be1": be1,
            "W2": W2, "b2": b2, "g2": g2, "be2": be2,
            "gp": gp, "bp": bp, "Wfc": Wfc, "bfc": bfc}


def reference(x, edge_index, batch, W1, b1, g1, be1, W2, b2, g2, be2, gp, bp, Wfc, bfc):
    src = edge_index[0]
    dst = edge_index[1]
    h = x
    for l in range(L):
        # GIN message passing: sum-aggregate neighbor features (gather + scatter-add)
        agg = jax.ops.segment_sum(h[src], dst, num_segments=N)
        out = agg + (1.0 + 0.0) * h  # eps = 0.0, not trainable
        # GINWrapper MLP: Linear -> BN -> Linear -> BN
        m = out @ W1[l] + b1[l]
        m = _bn(m, g1[l], be1[l])
        m = m @ W2[l] + b2[l]
        m = _bn(m, g2[l], be2[l])
        # outer per-layer BatchNorm + relu; dropout p=0.0 is identity
        h = jax.nn.relu(_bn(m, gp[l], bp[l]))
    # pool='max': global max pool per graph
    pooled = jax.ops.segment_max(h, batch, num_segments=G)
    logits = pooled @ Wfc + bfc
    return logits

if __name__ == "__main__":
    import jax
    _d = setup_inputs()
    print(jax.jit(kernel)(*tuple(_d.values())))

</pallas_src>

<mosaic_0001>
#map = affine_map<(d0, d1) -> (0, 0)>
#map1 = affine_map<(d0, d1) -> (0, 0, 0)>
module attributes {stable_mosaic.version = 14 : i64} {
  func.func @_segsum_body(%arg0: i32, %arg1: i32, %arg2: memref<10000x128xf32, #tpu.memory_space<hbm>>, %arg3: memref<32x125x80xi32, #tpu.memory_space<hbm>>, %arg4: memref<32x125x80xi32, #tpu.memory_space<hbm>>, %arg5: memref<10240x128xf32, #tpu.memory_space<hbm>>, %arg6: memref<2x10240x128xf32, #tpu.memory_space<hbm>>, %arg7: memref<125x80xi32, #tpu.memory_space<vmem>>, %arg8: memref<125x80xi32, #tpu.memory_space<vmem>>, %arg9: memref<80x128xf32, #tpu.memory_space<vmem>>, %arg10: memref<10240x128xf32, #tpu.memory_space<vmem_shared>>, %arg11: memref<!tpu.dma_semaphore, #tpu.memory_space<semaphore_mem>>) attributes {dimension_semantics = [#tpu.dimension_semantics<core_parallel>, #tpu.dimension_semantics<subcore_parallel>], iteration_bounds = array<i64: 2, 16>, scalar_prefetch = 0 : i64, scratch_operands = 5 : i64, tpu.core_type = #tpu.core_type<sc_vector_subcore>, window_params = [{transform_indices = #map}, {transform_indices = #map1}, {transform_indices = #map1}, {transform_indices = #map}, {transform_indices = #map1}]} {
    %mul3A = arith.constant 2 : i32
    %mul3A_0 = arith.muli %arg1, %mul3A : i32
    %add3A = arith.addi %mul3A_0, %arg0 : i32
    "tpu.region"() ({
      %run_scoped3A = tpu.sem_alloc : memref<!tpu.dma_semaphore, #tpu.memory_space<semaphore_mem>>
      %dma_start3A = arith.constant 0 : i32
      %dma_start3A_15 = arith.constant 0 : i32
      %dma_start3A_16 = tpu.memref_slice %arg3[%add3A, %dma_start3A, %dma_start3A_15] : memref<32x125x80xi32, #tpu.memory_space<hbm>> -> memref<1x125x80xi32, #tpu.memory_space<hbm>>
      %dma_start3A_17 = tpu.memref_squeeze %dma_start3A_16 : memref<1x125x80xi32, #tpu.memory_space<hbm>> -> memref<125x80xi32, #tpu.memory_space<hbm>>
      %dma_start3A_18 = arith.constant 0 : i32
      %dma_start3A_19 = arith.constant 0 : i32
      %dma_start3A_20 = tpu.memref_slice %arg3[%add3A, %dma_start3A_18, %dma_start3A_19] : memref<32x125x80xi32, #tpu.memory_space<hbm>> -> memref<1x125x80xi32, #tpu.memory_space<hbm>>
      %dma_start3A_21 = tpu.memref_squeeze %dma_start3A_20 : memref<1x125x80xi32, #tpu.memory_space<hbm>> -> memref<125x80xi32, #tpu.memory_space<hbm>>
      tpu.enqueue_dma source(%dma_start3A_21 : memref<125x80xi32, #tpu.memory_space<hbm>>) target(%arg7 : memref<125x80xi32, #tpu.memory_space<vmem>>) target_semaphore(%run_scoped3A : memref<!tpu.dma_semaphore, #tpu.memory_space<semaphore_mem>>)
      %dma_wait3A = arith.constant 0 : i32
      %dma_wait3A_22 = arith.constant 0 : i32
      %dma_wait3A_23 = tpu.memref_slice %arg3[%add3A, %dma_wait3A, %dma_wait3A_22] : memref<32x125x80xi32, #tpu.memory_space<hbm>> -> memref<1x125x80xi32, #tpu.memory_space<hbm>>
      %dma_wait3A_24 = tpu.memref_squeeze %dma_wait3A_23 : memref<1x125x80xi32, #tpu.memory_space<hbm>> -> memref<125x80xi32, #tpu.memory_space<hbm>>
      %dma_wait3A_25 = arith.constant 0 : i32
      %dma_wait3A_26 = arith.constant 0 : i32
      %dma_wait3A_27 = tpu.memref_slice %arg3[%add3A, %dma_wait3A_25, %dma_wait3A_26] : memref<32x125x80xi32, #tpu.memory_space<hbm>> -> memref<1x125x80xi32, #tpu.memory_space<hbm>>
      %dma_wait3A_28 = tpu.memref_squeeze %dma_wait3A_27 : memref<1x125x80xi32, #tpu.memory_space<hbm>> -> memref<125x80xi32, #tpu.memory_space<hbm>>
      tpu.wait_dma2 semaphore(%run_scoped3A : memref<!tpu.dma_semaphore, #tpu.memory_space<semaphore_mem>>) src(%dma_wait3A_28 : memref<125x80xi32, #tpu.memory_space<hbm>>) dst(%arg7 : memref<125x80xi32, #tpu.memory_space<vmem>>)
      tpu.yield
    }) : () -> ()
    "tpu.region"() ({
      %run_scoped3A = tpu.sem_alloc : memref<!tpu.dma_semaphore, #tpu.memory_space<semaphore_mem>>
      %dma_start3A = arith.constant 0 : i32
      %dma_start3A_15 = arith.constant 0 : i32
      %dma_start3A_16 = tpu.memref_slice %arg4[%add3A, %dma_start3A, %dma_start3A_15] : memref<32x125x80xi32, #tpu.memory_space<hbm>> -> memref<1x125x80xi32, #tpu.memory_space<hbm>>
      %dma_start3A_17 = tpu.memref_squeeze %dma_start3A_16 : memref<1x125x80xi32, #tpu.memory_space<hbm>> -> memref<125x80xi32, #tpu.memory_space<hbm>>
      %dma_start3A_18 = arith.constant 0 : i32
      %dma_start3A_19 = arith.constant 0 : i32
      %dma_start3A_20 = tpu.memref_slice %arg4[%add3A, %dma_start3A_18, %dma_start3A_19] : memref<32x125x80xi32, #tpu.memory_space<hbm>> -> memref<1x125x80xi32, #tpu.memory_space<hbm>>
      %dma_start3A_21 = tpu.memref_squeeze %dma_start3A_20 : memref<1x125x80xi32, #tpu.memory_space<hbm>> -> memref<125x80xi32, #tpu.memory_space<hbm>>
      tpu.enqueue_dma source(%dma_start3A_21 : memref<125x80xi32, #tpu.memory_space<hbm>>) target(%arg8 : memref<125x80xi32, #tpu.memory_space<vmem>>) target_semaphore(%run_scoped3A : memref<!tpu.dma_semaphore, #tpu.memory_space<semaphore_mem>>)
      %dma_wait3A = arith.constant 0 : i32
      %dma_wait3A_22 = arith.constant 0 : i32
      %dma_wait3A_23 = tpu.memref_slice %arg4[%add3A, %dma_wait3A, %dma_wait3A_22] : memref<32x125x80xi32, #tpu.memory_space<hbm>> -> memref<1x125x80xi32, #tpu.memory_space<hbm>>
      %dma_wait3A_24 = tpu.memref_squeeze %dma_wait3A_23 : memref<1x125x80xi32, #tpu.memory_space<hbm>> -> memref<125x80xi32, #tpu.memory_space<hbm>>
      %dma_wait3A_25 = arith.constant 0 : i32
      %dma_wait3A_26 = arith.constant 0 : i32
      %dma_wait3A_27 = tpu.memref_slice %arg4[%add3A, %dma_wait3A_25, %dma_wait3A_26] : memref<32x125x80xi32, #tpu.memory_space<hbm>> -> memref<1x125x80xi32, #tpu.memory_space<hbm>>
      %dma_wait3A_28 = tpu.memref_squeeze %dma_wait3A_27 : memref<1x125x80xi32, #tpu.memory_space<hbm>> -> memref<125x80xi32, #tpu.memory_space<hbm>>
      tpu.wait_dma2 semaphore(%run_scoped3A : memref<!tpu.dma_semaphore, #tpu.memory_space<semaphore_mem>>) src(%dma_wait3A_28 : memref<125x80xi32, #tpu.memory_space<hbm>>) dst(%arg8 : memref<125x80xi32, #tpu.memory_space<vmem>>)
      tpu.yield
    }) : () -> ()
    %mul3A_1 = arith.constant 640 : i32
    %mul3A_2 = arith.muli %arg1, %mul3A_1 : i32
    %mul3A_3 = arith.constant 640 : i32
    %mul3A_4 = arith.muli %arg1, %mul3A_3 : i32
    "tpu.region"() ({
      %run_scoped3A = tpu.sem_alloc : memref<!tpu.dma_semaphore, #tpu.memory_space<semaphore_mem>>
      %dma_start3A = arith.constant 0 : i32
      %dma_start3A_15 = tpu.memref_slice %arg10[%mul3A_4, %dma_start3A] : memref<10240x128xf32, #tpu.memory_space<vmem_shared>> -> memref<640x128xf32, #tpu.memory_space<vmem_shared>>
      %dma_start3A_16 = arith.constant 0 : i32
      %dma_start3A_17 = tpu.memref_slice %arg5[%mul3A_2, %dma_start3A_16] : memref<10240x128xf32, #tpu.memory_space<hbm>> -> memref<640x128xf32, #tpu.memory_space<hbm>>
      tpu.enqueue_dma source(%dma_start3A_17 : memref<640x128xf32, #tpu.memory_space<hbm>>) target(%dma_start3A_15 : memref<640x128xf32, #tpu.memory_space<vmem_shared>>) target_semaphore(%run_scoped3A : memref<!tpu.dma_semaphore, #tpu.memory_space<semaphore_mem>>)
      %dma_wait3A = arith.constant 0 : i32
      %dma_wait3A_18 = tpu.memref_slice %arg10[%mul3A_4, %dma_wait3A] : memref<10240x128xf32, #tpu.memory_space<vmem_shared>> -> memref<640x128xf32, #tpu.memory_space<vmem_shared>>
      %dma_wait3A_19 = arith.constant 0 : i32
      %dma_wait3A_20 = tpu.memref_slice %arg5[%mul3A_2, %dma_wait3A_19] : memref<10240x128xf32, #tpu.memory_space<hbm>> -> memref<640x128xf32, #tpu.memory_space<hbm>>
      tpu.wait_dma2 semaphore(%run_scoped3A : memref<!tpu.dma_semaphore, #tpu.memory_space<semaphore_mem>>) src(%dma_wait3A_20 : memref<640x128xf32, #tpu.memory_space<hbm>>) dst(%dma_wait3A_18 : memref<640x128xf32, #tpu.memory_space<vmem_shared>>)
      tpu.yield
    }) : () -> ()
    %barrier3A = arith.constant 0 : index
    tpu.barrier barrier_id(%barrier3A)
    %scan3A = arith.constant 0 : i32
    %scan3A_5 = arith.constant 0 : i32
    %scan3A_6 = arith.constant 125 : i32
    %scan3A_7 = arith.addi %scan3A_5, %scan3A_6 : i32
    %scan3A_8 = arith.constant 1 : i32
    scf.for %scan3A_15 = %scan3A_5 to %scan3A_7 step %scan3A_8  : i32 {
      %dma_start3A = arith.constant 0 : i32
      %dma_start3A_16 = tpu.memref_slice %arg7[%scan3A_15, %dma_start3A] : memref<125x80xi32, #tpu.memory_space<vmem>> -> memref<1x80xi32, #tpu.memory_space<vmem>>
      %dma_start3A_17 = tpu.memref_squeeze %dma_start3A_16 : memref<1x80xi32, #tpu.memory_space<vmem>> -> memref<80xi32, #tpu.memory_space<vmem>>
      %dma_start3A_18 = arith.constant 0 : i32
      %dma_start3A_19 = arith.constant 0 : i32
      %dma_start3A_20 = tpu.memref_slice %arg2[%dma_start3A_18, %dma_start3A_19] : memref<10000x128xf32, #tpu.memory_space<hbm>> -> memref<10000x128xf32, #tpu.memory_space<hbm>>
      tpu.enqueue_indirect_dma source(%dma_start3A_20 : memref<10000x128xf32, #tpu.memory_space<hbm>>) target(%arg9 : memref<80x128xf32, #tpu.memory_space<vmem>>) offsets(%dma_start3A_17 : memref<80xi32, #tpu.memory_space<vmem>>) semaphore(%arg11 : memref<!tpu.dma_semaphore, #tpu.memory_space<semaphore_mem>>)
      %dma_wait3A = arith.constant 0 : i32
      %dma_wait3A_21 = tpu.memref_slice %arg7[%scan3A_15, %dma_wait3A] : memref<125x80xi32, #tpu.memory_space<vmem>> -> memref<1x80xi32, #tpu.memory_space<vmem>>
      %dma_wait3A_22 = tpu.memref_squeeze %dma_wait3A_21 : memref<1x80xi32, #tpu.memory_space<vmem>> -> memref<80xi32, #tpu.memory_space<vmem>>
      %dma_wait3A_23 = arith.constant 0 : i32
      %dma_wait3A_24 = arith.constant 0 : i32
      %dma_wait3A_25 = tpu.memref_slice %arg2[%dma_wait3A_23, %dma_wait3A_24] : memref<10000x128xf32, #tpu.memory_space<hbm>> -> memref<10000x128xf32, #tpu.memory_space<hbm>>
      tpu.wait_indirect_dma semaphore(%arg11 : memref<!tpu.dma_semaphore, #tpu.memory_space<semaphore_mem>>) src(%dma_wait3A_25 : memref<10000x128xf32, #tpu.memory_space<hbm>>) dst(%arg9 : memref<80x128xf32, #tpu.memory_space<vmem>>)
      "tpu.region"() ({
        %run_scoped3A = tpu.sem_alloc : memref<!tpu.dma_semaphore, #tpu.memory_space<semaphore_mem>>
        %dma_start3A_26 = arith.constant 0 : i32
        %dma_start3A_27 = tpu.memref_slice %arg8[%scan3A_15, %dma_start3A_26] : memref<125x80xi32, #tpu.memory_space<vmem>> -> memref<1x80xi32, #tpu.memory_space<vmem>>
        %dma_start3A_28 = tpu.memref_squeeze %dma_start3A_27 : memref<1x80xi32, #tpu.memory_space<vmem>> -> memref<80xi32, #tpu.memory_space<vmem>>
        %dma_start3A_29 = arith.constant 0 : i32
        %dma_start3A_30 = arith.constant 0 : i32
        %dma_start3A_31 = tpu.memref_slice %arg10[%dma_start3A_29, %dma_start3A_30] : memref<10240x128xf32, #tpu.memory_space<vmem_shared>> -> memref<10240x128xf32, #tpu.memory_space<vmem_shared>>
        tpu.enqueue_indirect_dma source(%arg9 : memref<80x128xf32, #tpu.memory_space<vmem>>) target(%dma_start3A_31 : memref<10240x128xf32, #tpu.memory_space<vmem_shared>>) offsets(%dma_start3A_28 : memref<80xi32, #tpu.memory_space<vmem>>) semaphore(%run_scoped3A : memref<!tpu.dma_semaphore, #tpu.memory_space<semaphore_mem>>) {add = true}
        %dma_wait3A_32 = arith.constant 0 : i32
        %dma_wait3A_33 = tpu.memref_slice %arg8[%scan3A_15, %dma_wait3A_32] : memref<125x80xi32, #tpu.memory_space<vmem>> -> memref<1x80xi32, #tpu.memory_space<vmem>>
        %dma_wait3A_34 = tpu.memref_squeeze %dma_wait3A_33 : memref<1x80xi32, #tpu.memory_space<vmem>> -> memref<80xi32, #tpu.memory_space<vmem>>
        %dma_wait3A_35 = arith.constant 0 : i32
        %dma_wait3A_36 = arith.constant 0 : i32
        %dma_wait3A_37 = tpu.memref_slice %arg10[%dma_wait3A_35, %dma_wait3A_36] : memref<10240x128xf32, #tpu.memory_space<vmem_shared>> -> memref<10240x128xf32, #tpu.memory_space<vmem_shared>>
        tpu.wait_indirect_dma semaphore(%run_scoped3A : memref<!tpu.dma_semaphore, #tpu.memory_space<semaphore_mem>>) src(%arg9 : memref<80x128xf32, #tpu.memory_space<vmem>>) dst(%dma_wait3A_37 : memref<10240x128xf32, #tpu.memory_space<vmem_shared>>)
        tpu.yield
      }) : () -> ()
    }
    %scan3A_9 = arith.constant 125 : i32
    %barrier3A_10 = arith.constant 0 : index
    tpu.barrier barrier_id(%barrier3A_10)
    %mul3A_11 = arith.constant 640 : i32
    %mul3A_12 = arith.muli %arg1, %mul3A_11 : i32
    %mul3A_13 = arith.constant 640 : i32
    %mul3A_14 = arith.muli %arg1, %mul3A_13 : i32
    "tpu.region"() ({
      %run_scoped3A = tpu.sem_alloc : memref<!tpu.dma_semaphore, #tpu.memory_space<semaphore_mem>>
      %dma_start3A = arith.constant 0 : i32
      %dma_start3A_15 = tpu.memref_slice %arg6[%arg0, %mul3A_14, %dma_start3A] : memref<2x10240x128xf32, #tpu.memory_space<hbm>> -> memref<1x640x128xf32, #tpu.memory_space<hbm>>
      %dma_start3A_16 = tpu.memref_squeeze %dma_start3A_15 : memref<1x640x128xf32, #tpu.memory_space<hbm>> -> memref<640x128xf32, #tpu.memory_space<hbm>>
      %dma_start3A_17 = arith.constant 0 : i32
      %dma_start3A_18 = tpu.memref_slice %arg10[%mul3A_12, %dma_start3A_17] : memref<10240x128xf32, #tpu.memory_space<vmem_shared>> -> memref<640x128xf32, #tpu.memory_space<vmem_shared>>
      tpu.enqueue_dma source(%dma_start3A_18 : memref<640x128xf32, #tpu.memory_space<vmem_shared>>) target(%dma_start3A_16 : memref<640x128xf32, #tpu.memory_space<hbm>>) target_semaphore(%run_scoped3A : memref<!tpu.dma_semaphore, #tpu.memory_space<semaphore_mem>>)
      %dma_wait3A = arith.constant 0 : i32
      %dma_wait3A_19 = tpu.memref_slice %arg6[%arg0, %mul3A_14, %dma_wait3A] : memref<2x10240x128xf32, #tpu.memory_space<hbm>> -> memref<1x640x128xf32, #tpu.memory_space<hbm>>
      %dma_wait3A_20 = tpu.memref_squeeze %dma_wait3A_19 : memref<1x640x128xf32, #tpu.memory_space<hbm>> -> memref<640x128xf32, #tpu.memory_space<hbm>>
      %dma_wait3A_21 = arith.constant 0 : i32
      %dma_wait3A_22 = tpu.memref_slice %arg10[%mul3A_12, %dma_wait3A_21] : memref<10240x128xf32, #tpu.memory_space<vmem_shared>> -> memref<640x128xf32, #tpu.memory_space<vmem_shared>>
      tpu.wait_dma2 semaphore(%run_scoped3A : memref<!tpu.dma_semaphore, #tpu.memory_space<semaphore_mem>>) src(%dma_wait3A_22 : memref<640x128xf32, #tpu.memory_space<vmem_shared>>) dst(%dma_wait3A_20 : memref<640x128xf32, #tpu.memory_space<hbm>>)
      tpu.yield
    }) : () -> ()
    return
  }
}

#map = affine_map<(d0, d1) -> (0, 0)>
#map1 = affine_map<(d0, d1) -> (0, 0, 0)>
module attributes {stable_mosaic.version = 14 : i64} {
  func.func @_segsum_body(%arg0: i32, %arg1: i32, %arg2: memref<10000x128xf32, #tpu.memory_space<hbm>>, %arg3: memref<32x125x80xi32, #tpu.memory_space<hbm>>, %arg4: memref<32x125x80xi32, #tpu.memory_space<hbm>>, %arg5: memref<10240x128xf32, #tpu.memory_space<hbm>>, %arg6: memref<2x10240x128xf32, #tpu.memory_space<hbm>>, %arg7: memref<125x80xi32, #tpu.memory_space<vmem>>, %arg8: memref<125x80xi32, #tpu.memory_space<vmem>>, %arg9: memref<80x128xf32, #tpu.memory_space<vmem>>, %arg10: memref<10240x128xf32, #tpu.memory_space<vmem_shared>>, %arg11: memref<!tpu.dma_semaphore, #tpu.memory_space<semaphore_mem>>) attributes {dimension_semantics = [#tpu.dimension_semantics<core_parallel>, #tpu.dimension_semantics<subcore_parallel>], iteration_bounds = array<i64: 2, 16>, scalar_prefetch = 0 : i64, scratch_operands = 5 : i64, tpu.core_type = #tpu.core_type<sc_vector_subcore>, window_params = [{transform_indices = #map}, {transform_indices = #map1}, {transform_indices = #map1}, {transform_indices = #map}, {transform_indices = #map1}]} {
    %mul3A = arith.constant 2 : i32
    %mul3A_0 = arith.muli %arg1, %mul3A : i32
    %add3A = arith.addi %mul3A_0, %arg0 : i32
    "tpu.region"() ({
      %run_scoped3A = tpu.sem_alloc : memref<!tpu.dma_semaphore, #tpu.memory_space<semaphore_mem>>
      %dma_start3A = arith.constant 0 : i32
      %dma_start3A_15 = arith.constant 0 : i32
      %dma_start3A_16 = tpu.memref_slice %arg3[%add3A, %dma_start3A, %dma_start3A_15] : memref<32x125x80xi32, #tpu.memory_space<hbm>> -> memref<1x125x80xi32, #tpu.memory_space<hbm>>
      %dma_start3A_17 = tpu.memref_squeeze %dma_start3A_16 : memref<1x125x80xi32, #tpu.memory_space<hbm>> -> memref<125x80xi32, #tpu.memory_space<hbm>>
      %dma_start3A_18 = arith.constant 0 : i32
      %dma_start3A_19 = arith.constant 0 : i32
      %dma_start3A_20 = tpu.memref_slice %arg3[%add3A, %dma_start3A_18, %dma_start3A_19] : memref<32x125x80xi32, #tpu.memory_space<hbm>> -> memref<1x125x80xi32, #tpu.memory_space<hbm>>
      %dma_start3A_21 = tpu.memref_squeeze %dma_start3A_20 : memref<1x125x80xi32, #tpu.memory_space<hbm>> -> memref<125x80xi32, #tpu.memory_space<hbm>>
      tpu.enqueue_dma source(%dma_start3A_21 : memref<125x80xi32, #tpu.memory_space<hbm>>) target(%arg7 : memref<125x80xi32, #tpu.memory_space<vmem>>) target_semaphore(%run_scoped3A : memref<!tpu.dma_semaphore, #tpu.memory_space<semaphore_mem>>)
      %dma_wait3A = arith.constant 0 : i32
      %dma_wait3A_22 = arith.constant 0 : i32
      %dma_wait3A_23 = tpu.memref_slice %arg3[%add3A, %dma_wait3A, %dma_wait3A_22] : memref<32x125x80xi32, #tpu.memory_space<hbm>> -> memref<1x125x80xi32, #tpu.memory_space<hbm>>
      %dma_wait3A_24 = tpu.memref_squeeze %dma_wait3A_23 : memref<1x125x80xi32, #tpu.memory_space<hbm>> -> memref<125x80xi32, #tpu.memory_space<hbm>>
      %dma_wait3A_25 = arith.constant 0 : i32
      %dma_wait3A_26 = arith.constant 0 : i32
      %dma_wait3A_27 = tpu.memref_slice %arg3[%add3A, %dma_wait3A_25, %dma_wait3A_26] : memref<32x125x80xi32, #tpu.memory_space<hbm>> -> memref<1x125x80xi32, #tpu.memory_space<hbm>>
      %dma_wait3A_28 = tpu.memref_squeeze %dma_wait3A_27 : memref<1x125x80xi32, #tpu.memory_space<hbm>> -> memref<125x80xi32, #tpu.memory_space<hbm>>
      tpu.wait_dma2 semaphore(%run_scoped3A : memref<!tpu.dma_semaphore, #tpu.memory_space<semaphore_mem>>) src(%dma_wait3A_28 : memref<125x80xi32, #tpu.memory_space<hbm>>) dst(%arg7 : memref<125x80xi32, #tpu.memory_space<vmem>>)
      tpu.yield
    }) : () -> ()
    "tpu.region"() ({
      %run_scoped3A = tpu.sem_alloc : memref<!tpu.dma_semaphore, #tpu.memory_space<semaphore_mem>>
      %dma_start3A = arith.constant 0 : i32
      %dma_start3A_15 = arith.constant 0 : i32
      %dma_start3A_16 = tpu.memref_slice %arg4[%add3A, %dma_start3A, %dma_start3A_15] : memref<32x125x80xi32, #tpu.memory_space<hbm>> -> memref<1x125x80xi32, #tpu.memory_space<hbm>>
      %dma_start3A_17 = tpu.memref_squeeze %dma_start3A_16 : memref<1x125x80xi32, #tpu.memory_space<hbm>> -> memref<125x80xi32, #tpu.memory_space<hbm>>
      %dma_start3A_18 = arith.constant 0 : i32
      %dma_start3A_19 = arith.constant 0 : i32
      %dma_start3A_20 = tpu.memref_slice %arg4[%add3A, %dma_start3A_18, %dma_start3A_19] : memref<32x125x80xi32, #tpu.memory_space<hbm>> -> memref<1x125x80xi32, #tpu.memory_space<hbm>>
      %dma_start3A_21 = tpu.memref_squeeze %dma_start3A_20 : memref<1x125x80xi32, #tpu.memory_space<hbm>> -> memref<125x80xi32, #tpu.memory_space<hbm>>
      tpu.enqueue_dma source(%dma_start3A_21 : memref<125x80xi32, #tpu.memory_space<hbm>>) target(%arg8 : memref<125x80xi32, #tpu.memory_space<vmem>>) target_semaphore(%run_scoped3A : memref<!tpu.dma_semaphore, #tpu.memory_space<semaphore_mem>>)
      %dma_wait3A = arith.constant 0 : i32
      %dma_wait3A_22 = arith.constant 0 : i32
      %dma_wait3A_23 = tpu.memref_slice %arg4[%add3A, %dma_wait3A, %dma_wait3A_22] : memref<32x125x80xi32, #tpu.memory_space<hbm>> -> memref<1x125x80xi32, #tpu.memory_space<hbm>>
      %dma_wait3A_24 = tpu.memref_squeeze %dma_wait3A_23 : memref<1x125x80xi32, #tpu.memory_space<hbm>> -> memref<125x80xi32, #tpu.memory_space<hbm>>
      %dma_wait3A_25 = arith.constant 0 : i32
      %dma_wait3A_26 = arith.constant 0 : i32
      %dma_wait3A_27 = tpu.memref_slice %arg4[%add3A, %dma_wait3A_25, %dma_wait3A_26] : memref<32x125x80xi32, #tpu.memory_space<hbm>> -> memref<1x125x80xi32, #tpu.memory_space<hbm>>
      %dma_wait3A_28 = tpu.memref_squeeze %dma_wait3A_27 : memref<1x125x80xi32, #tpu.memory_space<hbm>> -> memref<125x80xi32, #tpu.memory_space<hbm>>
      tpu.wait_dma2 semaphore(%run_scoped3A : memref<!tpu.dma_semaphore, #tpu.memory_space<semaphore_mem>>) src(%dma_wait3A_28 : memref<125x80xi32, #tpu.memory_space<hbm>>) dst(%arg8 : memref<125x80xi32, #tpu.memory_space<vmem>>)
      tpu.yield
    }) : () -> ()
    %mul3A_1 = arith.constant 640 : i32
    %mul3A_2 = arith.muli %arg1, %mul3A_1 : i32
    %mul3A_3 = arith.constant 640 : i32
    %mul3A_4 = arith.muli %arg1, %mul3A_3 : i32
    "tpu.region"() ({
      %run_scoped3A = tpu.sem_alloc : memref<!tpu.dma_semaphore, #tpu.memory_space<semaphore_mem>>
      %dma_start3A = arith.constant 0 : i32
      %dma_start3A_15 = tpu.memref_slice %arg10[%mul3A_4, %dma_start3A] : memref<10240x128xf32, #tpu.memory_space<vmem_shared>> -> memref<640x128xf32, #tpu.memory_space<vmem_shared>>
      %dma_start3A_16 = arith.constant 0 : i32
      %dma_start3A_17 = tpu.memref_slice %arg5[%mul3A_2, %dma_start3A_16] : memref<10240x128xf32, #tpu.memory_space<hbm>> -> memref<640x128xf32, #tpu.memory_space<hbm>>
      tpu.enqueue_dma source(%dma_start3A_17 : memref<640x128xf32, #tpu.memory_space<hbm>>) target(%dma_start3A_15 : memref<640x128xf32, #tpu.memory_space<vmem_shared>>) target_semaphore(%run_scoped3A : memref<!tpu.dma_semaphore, #tpu.memory_space<semaphore_mem>>)
      %dma_wait3A = arith.constant 0 : i32
      %dma_wait3A_18 = tpu.memref_slice %arg10[%mul3A_4, %dma_wait3A] : memref<10240x128xf32, #tpu.memory_space<vmem_shared>> -> memref<640x128xf32, #tpu.memory_space<vmem_shared>>
      %dma_wait3A_19 = arith.constant 0 : i32
      %dma_wait3A_20 = tpu.memref_slice %arg5[%mul3A_2, %dma_wait3A_19] : memref<10240x128xf32, #tpu.memory_space<hbm>> -> memref<640x128xf32, #tpu.memory_space<hbm>>
      tpu.wait_dma2 semaphore(%run_scoped3A : memref<!tpu.dma_semaphore, #tpu.memory_space<semaphore_mem>>) src(%dma_wait3A_20 : memref<640x128xf32, #tpu.memory_space<hbm>>) dst(%dma_wait3A_18 : memref<640x128xf32, #tpu.memory_space<vmem_shared>>)
      tpu.yield
    }) : () -> ()
    %barrier3A = arith.constant 0 : index
    tpu.barrier barrier_id(%barrier3A)
    %scan3A = arith.constant 0 : i32
    %scan3A_5 = arith.constant 0 : i32
    %scan3A_6 = arith.constant 125 : i32
    %scan3A_7 = arith.addi %scan3A_5, %scan3A_6 : i32
    %scan3A_8 = arith.constant 1 : i32
    scf.for %scan3A_15 = %scan3A_5 to %scan3A_7 step %scan3A_8  : i32 {
      %dma_start3A = arith.constant 0 : i32
      %dma_start3A_16 = tpu.memref_slice %arg7[%scan3A_15, %dma_start3A] : memref<125x80xi32, #tpu.memory_space<vmem>> -> memref<1x80xi32, #tpu.memory_space<vmem>>
      %dma_start3A_17 = tpu.memref_squeeze %dma_start3A_16 : memref<1x80xi32, #tpu.memory_space<vmem>> -> memref<80xi32, #tpu.memory_space<vmem>>
      %dma_start3A_18 = arith.constant 0 : i32
      %dma_start3A_19 = arith.constant 0 : i32
      %dma_start3A_20 = tpu.memref_slice %arg2[%dma_start3A_18, %dma_start3A_19] : memref<10000x128xf32, #tpu.memory_space<hbm>> -> memref<10000x128xf32, #tpu.memory_space<hbm>>
      tpu.enqueue_indirect_dma source(%dma_start3A_20 : memref<10000x128xf32, #tpu.memory_space<hbm>>) target(%arg9 : memref<80x128xf32, #tpu.memory_space<vmem>>) offsets(%dma_start3A_17 : memref<80xi32, #tpu.memory_space<vmem>>) semaphore(%arg11 : memref<!tpu.dma_semaphore, #tpu.memory_space<semaphore_mem>>)
      %dma_wait3A = arith.constant 0 : i32
      %dma_wait3A_21 = tpu.memref_slice %arg7[%scan3A_15, %dma_wait3A] : memref<125x80xi32, #tpu.memory_space<vmem>> -> memref<1x80xi32, #tpu.memory_space<vmem>>
      %dma_wait3A_22 = tpu.memref_squeeze %dma_wait3A_21 : memref<1x80xi32, #tpu.memory_space<vmem>> -> memref<80xi32, #tpu.memory_space<vmem>>
      %dma_wait3A_23 = arith.constant 0 : i32
      %dma_wait3A_24 = arith.constant 0 : i32
      %dma_wait3A_25 = tpu.memref_slice %arg2[%dma_wait3A_23, %dma_wait3A_24] : memref<10000x128xf32, #tpu.memory_space<hbm>> -> memref<10000x128xf32, #tpu.memory_space<hbm>>
      tpu.wait_indirect_dma semaphore(%arg11 : memref<!tpu.dma_semaphore, #tpu.memory_space<semaphore_mem>>) src(%dma_wait3A_25 : memref<10000x128xf32, #tpu.memory_space<hbm>>) dst(%arg9 : memref<80x128xf32, #tpu.memory_space<vmem>>)
      "tpu.region"() ({
        %run_scoped3A = tpu.sem_alloc : memref<!tpu.dma_semaphore, #tpu.memory_space<semaphore_mem>>
        %dma_start3A_26 = arith.constant 0 : i32
        %dma_start3A_27 = tpu.memref_slice %arg8[%scan3A_15, %dma_start3A_26] : memref<125x80xi32, #tpu.memory_space<vmem>> -> memref<1x80xi32, #tpu.memory_space<vmem>>
        %dma_start3A_28 = tpu.memref_squeeze %dma_start3A_27 : memref<1x80xi32, #tpu.memory_space<vmem>> -> memref<80xi32, #tpu.memory_space<vmem>>
        %dma_start3A_29 = arith.constant 0 : i32
        %dma_start3A_30 = arith.constant 0 : i32
        %dma_start3A_31 = tpu.memref_slice %arg10[%dma_start3A_29, %dma_start3A_30] : memref<10240x128xf32, #tpu.memory_space<vmem_shared>> -> memref<10240x128xf32, #tpu.memory_space<vmem_shared>>
        tpu.enqueue_indirect_dma source(%arg9 : memref<80x128xf32, #tpu.memory_space<vmem>>) target(%dma_start3A_31 : memref<10240x128xf32, #tpu.memory_space<vmem_shared>>) offsets(%dma_start3A_28 : memref<80xi32, #tpu.memory_space<vmem>>) semaphore(%run_scoped3A : memref<!tpu.dma_semaphore, #tpu.memory_space<semaphore_mem>>) {add = true}
        %dma_wait3A_32 = arith.constant 0 : i32
        %dma_wait3A_33 = tpu.memref_slice %arg8[%scan3A_15, %dma_wait3A_32] : memref<125x80xi32, #tpu.memory_space<vmem>> -> memref<1x80xi32, #tpu.memory_space<vmem>>
        %dma_wait3A_34 = tpu.memref_squeeze %dma_wait3A_33 : memref<1x80xi32, #tpu.memory_space<vmem>> -> memref<80xi32, #tpu.memory_space<vmem>>
        %dma_wait3A_35 = arith.constant 0 : i32
        %dma_wait3A_36 = arith.constant 0 : i32
        %dma_wait3A_37 = tpu.memref_slice %arg10[%dma_wait3A_35, %dma_wait3A_36] : memref<10240x128xf32, #tpu.memory_space<vmem_shared>> -> memref<10240x128xf32, #tpu.memory_space<vmem_shared>>
        tpu.wait_indirect_dma semaphore(%run_scoped3A : memref<!tpu.dma_semaphore, #tpu.memory_space<semaphore_mem>>) src(%arg9 : memref<80x128xf32, #tpu.memory_space<vmem>>) dst(%dma_wait3A_37 : memref<10240x128xf32, #tpu.memory_space<vmem_shared>>)
        tpu.yield
      }) : () -> ()
    }
    %scan3A_9 = arith.constant 125 : i32
    %barrier3A_10 = arith.constant 0 : index
    tpu.barrier barrier_id(%barrier3A_10)
    %mul3A_11 = arith.constant 640 : i32
    %mul3A_12 = arith.muli %arg1, %mul3A_11 : i32
    %mul3A_13 = arith.constant 640 : i32
    %mul3A_14 = arith.muli %arg1, %mul3A_13 : i32
    "tpu.region"() ({
      %run_scoped3A = tpu.sem_alloc : memref<!tpu.dma_semaphore, #tpu.memory_space<semaphore_mem>>
      %dma_start3A = arith.constant 0 : i32
      %dma_start3A_15 = tpu.memref_slice %arg6[%arg0, %mul3A_14, %dma_start3A] : memref<2x10240x128xf32, #tpu.memory_space<hbm>> -> memref<1x640x128xf32, #tpu.memory_space<hbm>>
      %dma_start3A_16 = tpu.memref_squeeze %dma_start3A_15 : memref<1x640x128xf32, #tpu.memory_space<hbm>> -> memref<640x128xf32, #tpu.memory_space<hbm>>
      %dma_start3A_17 = arith.constant 0 : i32
      %dma_start3A_18 = tpu.memref_slice %arg10[%mul3A_12, %dma_start3A_17] : memref<10240x128xf32, #tpu.memory_space<vmem_shared>> -> memref<640x128xf32, #tpu.memory_space<vmem_shared>>
      tpu.enqueue_dma source(%dma_start3A_18 : memref<640x128xf32, #tpu.memory_space<vmem_shared>>) target(%dma_start3A_16 : memref<640x128xf32, #tpu.memory_space<hbm>>) target_semaphore(%run_scoped3A : memref<!tpu.dma_semaphore, #tpu.memory_space<semaphore_mem>>)
      %dma_wait3A = arith.constant 0 : i32
      %dma_wait3A_19 = tpu.memref_slice %arg6[%arg0, %mul3A_14, %dma_wait3A] : memref<2x10240x128xf32, #tpu.memory_space<hbm>> -> memref<1x640x128xf32, #tpu.memory_space<hbm>>
      %dma_wait3A_20 = tpu.memref_squeeze %dma_wait3A_19 : memref<1x640x128xf32, #tpu.memory_space<hbm>> -> memref<640x128xf32, #tpu.memory_space<hbm>>
      %dma_wait3A_21 = arith.constant 0 : i32
      %dma_wait3A_22 = tpu.memref_slice %arg10[%mul3A_12, %dma_wait3A_21] : memref<10240x128xf32, #tpu.memory_space<vmem_shared>> -> memref<640x128xf32, #tpu.memory_space<vmem_shared>>
      tpu.wait_dma2 semaphore(%run_scoped3A : memref<!tpu.dma_semaphore, #tpu.memory_space<semaphore_mem>>) src(%dma_wait3A_22 : memref<640x128xf32, #tpu.memory_space<vmem_shared>>) dst(%dma_wait3A_20 : memref<640x128xf32, #tpu.memory_space<hbm>>)
      tpu.yield
    }) : () -> ()
    return
  }
}

#map = affine_map<(d0, d1) -> (0, 0)>
#map1 = affine_map<(d0, d1) -> (0, 0, 0)>
module attributes {stable_mosaic.version = 14 : i64} {
  func.func @_segsum_body(%arg0: i32, %arg1: i32, %arg2: memref<10000x128xf32, #tpu.memory_space<hbm>>, %arg3: memref<32x125x80xi32, #tpu.memory_space<hbm>>, %arg4: memref<32x125x80xi32, #tpu.memory_space<hbm>>, %arg5: memref<10240x128xf32, #tpu.memory_space<hbm>>, %arg6: memref<2x10240x128xf32, #tpu.memory_space<hbm>>, %arg7: memref<125x80xi32, #tpu.memory_space<vmem>>, %arg8: memref<125x80xi32, #tpu.memory_space<vmem>>, %arg9: memref<80x128xf32, #tpu.memory_space<vmem>>, %arg10: memref<10240x128xf32, #tpu.memory_space<vmem_shared>>, %arg11: memref<!tpu.dma_semaphore, #tpu.memory_space<semaphore_mem>>) attributes {dimension_semantics = [#tpu.dimension_semantics<core_parallel>, #tpu.dimension_semantics<subcore_parallel>], iteration_bounds = array<i64: 2, 16>, scalar_prefetch = 0 : i64, scratch_operands = 5 : i64, tpu.core_type = #tpu.core_type<sc_vector_subcore>, window_params = [{transform_indices = #map}, {transform_indices = #map1}, {transform_indices = #map1}, {transform_indices = #map}, {transform_indices = #map1}]} {
    %mul3A = arith.constant 2 : i32
    %mul3A_0 = arith.muli %arg1, %mul3A : i32
    %add3A = arith.addi %mul3A_0, %arg0 : i32
    "tpu.region"() ({
      %run_scoped3A = tpu.sem_alloc : memref<!tpu.dma_semaphore, #tpu.memory_space<semaphore_mem>>
      %dma_start3A = arith.constant 0 : i32
      %dma_start3A_15 = arith.constant 0 : i32
      %dma_start3A_16 = tpu.memref_slice %arg3[%add3A, %dma_start3A, %dma_start3A_15] : memref<32x125x80xi32, #tpu.memory_space<hbm>> -> memref<1x125x80xi32, #tpu.memory_space<hbm>>
      %dma_start3A_17 = tpu.memref_squeeze %dma_start3A_16 : memref<1x125x80xi32, #tpu.memory_space<hbm>> -> memref<125x80xi32, #tpu.memory_space<hbm>>
      %dma_start3A_18 = arith.constant 0 : i32
      %dma_start3A_19 = arith.constant 0 : i32
      %dma_start3A_20 = tpu.memref_slice %arg3[%add3A, %dma_start3A_18, %dma_start3A_19] : memref<32x125x80xi32, #tpu.memory_space<hbm>> -> memref<1x125x80xi32, #tpu.memory_space<hbm>>
      %dma_start3A_21 = tpu.memref_squeeze %dma_start3A_20 : memref<1x125x80xi32, #tpu.memory_space<hbm>> -> memref<125x80xi32, #tpu.memory_space<hbm>>
      tpu.enqueue_dma source(%dma_start3A_21 : memref<125x80xi32, #tpu.memory_space<hbm>>) target(%arg7 : memref<125x80xi32, #tpu.memory_space<vmem>>) target_semaphore(%run_scoped3A : memref<!tpu.dma_semaphore, #tpu.memory_space<semaphore_mem>>)
      %dma_wait3A = arith.constant 0 : i32
      %dma_wait3A_22 = arith.constant 0 : i32
      %dma_wait3A_23 = tpu.memref_slice %arg3[%add3A, %dma_wait3A, %dma_wait3A_22] : memref<32x125x80xi32, #tpu.memory_space<hbm>> -> memref<1x125x80xi32, #tpu.memory_space<hbm>>
      %dma_wait3A_24 = tpu.memref_squeeze %dma_wait3A_23 : memref<1x125x80xi32, #tpu.memory_space<hbm>> -> memref<125x80xi32, #tpu.memory_space<hbm>>
      %dma_wait3A_25 = arith.constant 0 : i32
      %dma_wait3A_26 = arith.constant 0 : i32
      %dma_wait3A_27 = tpu.memref_slice %arg3[%add3A, %dma_wait3A_25, %dma_wait3A_26] : memref<32x125x80xi32, #tpu.memory_space<hbm>> -> memref<1x125x80xi32, #tpu.memory_space<hbm>>
      %dma_wait3A_28 = tpu.memref_squeeze %dma_wait3A_27 : memref<1x125x80xi32, #tpu.memory_space<hbm>> -> memref<125x80xi32, #tpu.memory_space<hbm>>
      tpu.wait_dma2 semaphore(%run_scoped3A : memref<!tpu.dma_semaphore, #tpu.memory_space<semaphore_mem>>) src(%dma_wait3A_28 : memref<125x80xi32, #tpu.memory_space<hbm>>) dst(%arg7 : memref<125x80xi32, #tpu.memory_space<vmem>>)
      tpu.yield
    }) : () -> ()
    "tpu.region"() ({
      %run_scoped3A = tpu.sem_alloc : memref<!tpu.dma_semaphore, #tpu.memory_space<semaphore_mem>>
      %dma_start3A = arith.constant 0 : i32
      %dma_start3A_15 = arith.constant 0 : i32
      %dma_start3A_16 = tpu.memref_slice %arg4[%add3A, %dma_start3A, %dma_start3A_15] : memref<32x125x80xi32, #tpu.memory_space<hbm>> -> memref<1x125x80xi32, #tpu.memory_space<hbm>>
      %dma_start3A_17 = tpu.memref_squeeze %dma_start3A_16 : memref<1x125x80xi32, #tpu.memory_space<hbm>> -> memref<125x80xi32, #tpu.memory_space<hbm>>
      %dma_start3A_18 = arith.constant 0 : i32
      %dma_start3A_19 = arith.constant 0 : i32
      %dma_start3A_20 = tpu.memref_slice %arg4[%add3A, %dma_start3A_18, %dma_start3A_19] : memref<32x125x80xi32, #tpu.memory_space<hbm>> -> memref<1x125x80xi32, #tpu.memory_space<hbm>>
      %dma_start3A_21 = tpu.memref_squeeze %dma_start3A_20 : memref<1x125x80xi32, #tpu.memory_space<hbm>> -> memref<125x80xi32, #tpu.memory_space<hbm>>
      tpu.enqueue_dma source(%dma_start3A_21 : memref<125x80xi32, #tpu.memory_space<hbm>>) target(%arg8 : memref<125x80xi32, #tpu.memory_space<vmem>>) target_semaphore(%run_scoped3A : memref<!tpu.dma_semaphore, #tpu.memory_space<semaphore_mem>>)
      %dma_wait3A = arith.constant 0 : i32
      %dma_wait3A_22 = arith.constant 0 : i32
      %dma_wait3A_23 = tpu.memref_slice %arg4[%add3A, %dma_wait3A, %dma_wait3A_22] : memref<32x125x80xi32, #tpu.memory_space<hbm>> -> memref<1x125x80xi32, #tpu.memory_space<hbm>>
      %dma_wait3A_24 = tpu.memref_squeeze %dma_wait3A_23 : memref<1x125x80xi32, #tpu.memory_space<hbm>> -> memref<125x80xi32, #tpu.memory_space<hbm>>
      %dma_wait3A_25 = arith.constant 0 : i32
      %dma_wait3A_26 = arith.constant 0 : i32
      %dma_wait3A_27 = tpu.memref_slice %arg4[%add3A, %dma_wait3A_25, %dma_wait3A_26] : memref<32x125x80xi32, #tpu.memory_space<hbm>> -> memref<1x125x80xi32, #tpu.memory_space<hbm>>
      %dma_wait3A_28 = tpu.memref_squeeze %dma_wait3A_27 : memref<1x125x80xi32, #tpu.memory_space<hbm>> -> memref<125x80xi32, #tpu.memory_space<hbm>>
      tpu.wait_dma2 semaphore(%run_scoped3A : memref<!tpu.dma_semaphore, #tpu.memory_space<semaphore_mem>>) src(%dma_wait3A_28 : memref<125x80xi32, #tpu.memory_space<hbm>>) dst(%arg8 : memref<125x80xi32, #tpu.memory_space<vmem>>)
      tpu.yield
    }) : () -> ()
    %mul3A_1 = arith.constant 640 : i32
    %mul3A_2 = arith.muli %arg1, %mul3A_1 : i32
    %mul3A_3 = arith.constant 640 : i32
    %mul3A_4 = arith.muli %arg1, %mul3A_3 : i32
    "tpu.region"() ({
      %run_scoped3A = tpu.sem_alloc : memref<!tpu.dma_semaphore, #tpu.memory_space<semaphore_mem>>
      %dma_start3A = arith.constant 0 : i32
      %dma_start3A_15 = tpu.memref_slice %arg10[%mul3A_4, %dma_start3A] : memref<10240x128xf32, #tpu.memory_space<vmem_shared>> -> memref<640x128xf32, #tpu.memory_space<vmem_shared>>
      %dma_start3A_16 = arith.constant 0 : i32
      %dma_start3A_17 = tpu.memref_slice %arg5[%mul3A_2, %dma_start3A_16] : memref<10240x128xf32, #tpu.memory_space<hbm>> -> memref<640x128xf32, #tpu.memory_space<hbm>>
      tpu.enqueue_dma source(%dma_start3A_17 : memref<640x128xf32, #tpu.memory_space<hbm>>) target(%dma_start3A_15 : memref<640x128xf32, #tpu.memory_space<vmem_shared>>) target_semaphore(%run_scoped3A : memref<!tpu.dma_semaphore, #tpu.memory_space<semaphore_mem>>)
      %dma_wait3A = arith.constant 0 : i32
      %dma_wait3A_18 = tpu.memref_slice %arg10[%mul3A_4, %dma_wait3A] : memref<10240x128xf32, #tpu.memory_space<vmem_shared>> -> memref<640x128xf32, #tpu.memory_space<vmem_shared>>
      %dma_wait3A_19 = arith.constant 0 : i32
      %dma_wait3A_20 = tpu.memref_slice %arg5[%mul3A_2, %dma_wait3A_19] : memref<10240x128xf32, #tpu.memory_space<hbm>> -> memref<640x128xf32, #tpu.memory_space<hbm>>
      tpu.wait_dma2 semaphore(%run_scoped3A : memref<!tpu.dma_semaphore, #tpu.memory_space<semaphore_mem>>) src(%dma_wait3A_20 : memref<640x128xf32, #tpu.memory_space<hbm>>) dst(%dma_wait3A_18 : memref<640x128xf32, #tpu.memory_space<vmem_shared>>)
      tpu.yield
    }) : () -> ()
    %barrier3A = arith.constant 0 : index
    tpu.barrier barrier_id(%barrier3A)
    %scan3A = arith.constant 0 : i32
    %scan3A_5 = arith.constant 0 : i32
    %scan3A_6 = arith.constant 125 : i32
    %scan3A_7 = arith.addi %scan3A_5, %scan3A_6 : i32
    %scan3A_8 = arith.constant 1 : i32
    scf.for %scan3A_15 = %scan3A_5 to %scan3A_7 step %scan3A_8  : i32 {
      %dma_start3A = arith.constant 0 : i32
      %dma_start3A_16 = tpu.memref_slice %arg7[%scan3A_15, %dma_start3A] : memref<125x80xi32, #tpu.memory_space<vmem>> -> memref<1x80xi32, #tpu.memory_space<vmem>>
      %dma_start3A_17 = tpu.memref_squeeze %dma_start3A_16 : memref<1x80xi32, #tpu.memory_space<vmem>> -> memref<80xi32, #tpu.memory_space<vmem>>
      %dma_start3A_18 = arith.constant 0 : i32
      %dma_start3A_19 = arith.constant 0 : i32
      %dma_start3A_20 = tpu.memref_slice %arg2[%dma_start3A_18, %dma_start3A_19] : memref<10000x128xf32, #tpu.memory_space<hbm>> -> memref<10000x128xf32, #tpu.memory_space<hbm>>
      tpu.enqueue_indirect_dma source(%dma_start3A_20 : memref<10000x128xf32, #tpu.memory_space<hbm>>) target(%arg9 : memref<80x128xf32, #tpu.memory_space<vmem>>) offsets(%dma_start3A_17 : memref<80xi32, #tpu.memory_space<vmem>>) semaphore(%arg11 : memref<!tpu.dma_semaphore, #tpu.memory_space<semaphore_mem>>)
      %dma_wait3A = arith.constant 0 : i32
      %dma_wait3A_21 = tpu.memref_slice %arg7[%scan3A_15, %dma_wait3A] : memref<125x80xi32, #tpu.memory_space<vmem>> -> memref<1x80xi32, #tpu.memory_space<vmem>>
      %dma_wait3A_22 = tpu.memref_squeeze %dma_wait3A_21 : memref<1x80xi32, #tpu.memory_space<vmem>> -> memref<80xi32, #tpu.memory_space<vmem>>
      %dma_wait3A_23 = arith.constant 0 : i32
      %dma_wait3A_24 = arith.constant 0 : i32
      %dma_wait3A_25 = tpu.memref_slice %arg2[%dma_wait3A_23, %dma_wait3A_24] : memref<10000x128xf32, #tpu.memory_space<hbm>> -> memref<10000x128xf32, #tpu.memory_space<hbm>>
      tpu.wait_indirect_dma semaphore(%arg11 : memref<!tpu.dma_semaphore, #tpu.memory_space<semaphore_mem>>) src(%dma_wait3A_25 : memref<10000x128xf32, #tpu.memory_space<hbm>>) dst(%arg9 : memref<80x128xf32, #tpu.memory_space<vmem>>)
      "tpu.region"() ({
        %run_scoped3A = tpu.sem_alloc : memref<!tpu.dma_semaphore, #tpu.memory_space<semaphore_mem>>
        %dma_start3A_26 = arith.constant 0 : i32
        %dma_start3A_27 = tpu.memref_slice %arg8[%scan3A_15, %dma_start3A_26] : memref<125x80xi32, #tpu.memory_space<vmem>> -> memref<1x80xi32, #tpu.memory_space<vmem>>
        %dma_start3A_28 = tpu.memref_squeeze %dma_start3A_27 : memref<1x80xi32, #tpu.memory_space<vmem>> -> memref<80xi32, #tpu.memory_space<vmem>>
        %dma_start3A_29 = arith.constant 0 : i32
        %dma_start3A_30 = arith.constant 0 : i32
        %dma_start3A_31 = tpu.memref_slice %arg10[%dma_start3A_29, %dma_start3A_30] : memref<10240x128xf32, #tpu.memory_space<vmem_shared>> -> memref<10240x128xf32, #tpu.memory_space<vmem_shared>>
        tpu.enqueue_indirect_dma source(%arg9 : memref<80x128xf32, #tpu.memory_space<vmem>>) target(%dma_start3A_31 : memref<10240x128xf32, #tpu.memory_space<vmem_shared>>) offsets(%dma_start3A_28 : memref<80xi32, #tpu.memory_space<vmem>>) semaphore(%run_scoped3A : memref<!tpu.dma_semaphore, #tpu.memory_space<semaphore_mem>>) {add = true}
        %dma_wait3A_32 = arith.constant 0 : i32
        %dma_wait3A_33 = tpu.memref_slice %arg8[%scan3A_15, %dma_wait3A_32] : memref<125x80xi32, #tpu.memory_space<vmem>> -> memref<1x80xi32, #tpu.memory_space<vmem>>
        %dma_wait3A_34 = tpu.memref_squeeze %dma_wait3A_33 : memref<1x80xi32, #tpu.memory_space<vmem>> -> memref<80xi32, #tpu.memory_space<vmem>>
        %dma_wait3A_35 = arith.constant 0 : i32
        %dma_wait3A_36 = arith.constant 0 : i32
        %dma_wait3A_37 = tpu.memref_slice %arg10[%dma_wait3A_35, %dma_wait3A_36] : memref<10240x128xf32, #tpu.memory_space<vmem_shared>> -> memref<10240x128xf32, #tpu.memory_space<vmem_shared>>
        tpu.wait_indirect_dma semaphore(%run_scoped3A : memref<!tpu.dma_semaphore, #tpu.memory_space<semaphore_mem>>) src(%arg9 : memref<80x128xf32, #tpu.memory_space<vmem>>) dst(%dma_wait3A_37 : memref<10240x128xf32, #tpu.memory_space<vmem_shared>>)
        tpu.yield
      }) : () -> ()
    }
    %scan3A_9 = arith.constant 125 : i32
    %barrier3A_10 = arith.constant 0 : index
    tpu.barrier barrier_id(%barrier3A_10)
    %mul3A_11 = arith.constant 640 : i32
    %mul3A_12 = arith.muli %arg1, %mul3A_11 : i32
    %mul3A_13 = arith.constant 640 : i32
    %mul3A_14 = arith.muli %arg1, %mul3A_13 : i32
    "tpu.region"() ({
      %run_scoped3A = tpu.sem_alloc : memref<!tpu.dma_semaphore, #tpu.memory_space<semaphore_mem>>
      %dma_start3A = arith.constant 0 : i32
      %dma_start3A_15 = tpu.memref_slice %arg6[%arg0, %mul3A_14, %dma_start3A] : memref<2x10240x128xf32, #tpu.memory_space<hbm>> -> memref<1x640x128xf32, #tpu.memory_space<hbm>>
      %dma_start3A_16 = tpu.memref_squeeze %dma_start3A_15 : memref<1x640x128xf32, #tpu.memory_space<hbm>> -> memref<640x128xf32, #tpu.memory_space<hbm>>
      %dma_start3A_17 = arith.constant 0 : i32
      %dma_start3A_18 = tpu.memref_slice %arg10[%mul3A_12, %dma_start3A_17] : memref<10240x128xf32, #tpu.memory_space<vmem_shared>> -> memref<640x128xf32, #tpu.memory_space<vmem_shared>>
      tpu.enqueue_dma source(%dma_start3A_18 : memref<640x128xf32, #tpu.memory_space<vmem_shared>>) target(%dma_start3A_16 : memref<640x128xf32, #tpu.memory_space<hbm>>) target_semaphore(%run_scoped3A : memref<!tpu.dma_semaphore, #tpu.memory_space<semaphore_mem>>)
      %dma_wait3A = arith.constant 0 : i32
      %dma_wait3A_19 = tpu.memref_slice %arg6[%arg0, %mul3A_14, %dma_wait3A] : memref<2x10240x128xf32, #tpu.memory_space<hbm>> -> memref<1x640x128xf32, #tpu.memory_space<hbm>>
      %dma_wait3A_20 = tpu.memref_squeeze %dma_wait3A_19 : memref<1x640x128xf32, #tpu.memory_space<hbm>> -> memref<640x128xf32, #tpu.memory_space<hbm>>
      %dma_wait3A_21 = arith.constant 0 : i32
      %dma_wait3A_22 = tpu.memref_slice %arg10[%mul3A_12, %dma_wait3A_21] : memref<10240x128xf32, #tpu.memory_space<vmem_shared>> -> memref<640x128xf32, #tpu.memory_space<vmem_shared>>
      tpu.wait_dma2 semaphore(%run_scoped3A : memref<!tpu.dma_semaphore, #tpu.memory_space<semaphore_mem>>) src(%dma_wait3A_22 : memref<640x128xf32, #tpu.memory_space<vmem_shared>>) dst(%dma_wait3A_20 : memref<640x128xf32, #tpu.memory_space<hbm>>)
      tpu.yield
    }) : () -> ()
    return
  }
}

module attributes {stable_mosaic.version = 14 : i64} {
  func.func @_mlp_body(%arg0: memref<2x10240x128xf32, #tpu.memory_space<vmem>>, %arg1: memref<10000x128xf32, #tpu.memory_space<vmem>>, %arg2: memref<128x128xf32, #tpu.memory_space<vmem>>, %arg3: memref<1x128xf32, #tpu.memory_space<vmem>>, %arg4: memref<1x128xf32, #tpu.memory_space<vmem>>, %arg5: memref<1x128xf32, #tpu.memory_space<vmem>>, %arg6: memref<128x128xf32, #tpu.memory_space<vmem>>, %arg7: memref<1x128xf32, #tpu.memory_space<vmem>>, %arg8: memref<1x128xf32, #tpu.memory_space<vmem>>, %arg9: memref<1x128xf32, #tpu.memory_space<vmem>>, %arg10: memref<1x128xf32, #tpu.memory_space<vmem>>, %arg11: memref<1x128xf32, #tpu.memory_space<vmem>>, %arg12: memref<10000x128xf32, #tpu.memory_space<vmem>>) attributes {dimension_semantics = [], scalar_prefetch = 0 : i64, scratch_operands = 0 : i64, tpu.core_type = #tpu.core_type<tc>} {
    %get3A = arith.constant 0 : index
    %get3A_0 = arith.constant 0 : index
    %get3A_1 = arith.constant 0 : index
    %get3A_2 = vector.load %arg0[%get3A, %get3A_0, %get3A_1] : memref<2x10240x128xf32, #tpu.memory_space<vmem>>, vector<1x10000x128xf32>
    %get3A_3 = vector.shape_cast %get3A_2 : vector<1x10000x128xf32> to vector<10000x128xf32>
    %get3A_4 = arith.constant 1 : index
    %get3A_5 = arith.constant 0 : index
    %get3A_6 = arith.constant 0 : index
    %get3A_7 = vector.load %arg0[%get3A_4, %get3A_5, %get3A_6] : memref<2x10240x128xf32, #tpu.memory_space<vmem>>, vector<1x10000x128xf32>
    %get3A_8 = vector.shape_cast %get3A_7 : vector<1x10000x128xf32> to vector<10000x128xf32>
    %add3A = arith.addf %get3A_3, %get3A_8 : vector<10000x128xf32>
    %get3A_9 = arith.constant 0 : index
    %get3A_10 = arith.constant 0 : index
    %get3A_11 = vector.load %arg1[%get3A_9, %get3A_10] : memref<10000x128xf32, #tpu.memory_space<vmem>>, vector<10000x128xf32>
    %add3A_12 = arith.addf %add3A, %get3A_11 : vector<10000x128xf32>
    %get3A_13 = arith.constant 0 : index
    %get3A_14 = arith.constant 0 : index
    %get3A_15 = vector.load %arg2[%get3A_13, %get3A_14] : memref<128x128xf32, #tpu.memory_space<vmem>>, vector<128x128xf32>
    %dot_general3A = arith.constant dense<0.000000e+00> : vector<10000x128xf32>
    %dot_general3A_16 = tpu.matmul %add3A_12, %get3A_15, %dot_general3A {dimension_numbers = #tpu.dot_dimension_numbers<[1], [0], [0], [1], [0, 0, 1, 1], [], []>, transpose_lhs_hint = false} : vector<10000x128xf32>, vector<128x128xf32>, vector<10000x128xf32> -> vector<10000x128xf32>
    %get3A_17 = arith.constant 0 : index
    %get3A_18 = arith.constant 0 : index
    %get3A_19 = vector.load %arg3[%get3A_17, %get3A_18] : memref<1x128xf32, #tpu.memory_space<vmem>>, vector<1x128xf32>
    %add3A_20 = vector.broadcast %get3A_19 : vector<1x128xf32> to vector<10000x128xf32>
    %add3A_21 = arith.addf %dot_general3A_16, %add3A_20 : vector<10000x128xf32>
    %reduce_sum3A = arith.constant dense<0.000000e+00> : vector<128xf32>
    %reduce_sum3A_22 = vector.multi_reduction <add>, %add3A_21, %reduce_sum3A [0] : vector<10000x128xf32> to vector<128xf32>
    %broadcast_in_dim3A = vector.shape_cast %reduce_sum3A_22 : vector<128xf32> to vector<1x128xf32>
    %div3A = arith.constant 1.000000e+04 : f32
    %div3A_23 = vector.broadcast %div3A : f32 to vector<1x128xf32>
    %div3A_24 = arith.divf %broadcast_in_dim3A, %div3A_23 : vector<1x128xf32>
    %sub3A = vector.broadcast %div3A_24 : vector<1x128xf32> to vector<10000x128xf32>
    %sub3A_25 = arith.subf %add3A_21, %sub3A : vector<10000x128xf32>
    %mul3A = arith.mulf %sub3A_25, %sub3A_25 : vector<10000x128xf32>
    %reduce_sum3A_26 = arith.constant dense<0.000000e+00> : vector<128xf32>
    %reduce_sum3A_27 = vector.multi_reduction <add>, %mul3A, %reduce_sum3A_26 [0] : vector<10000x128xf32> to vector<128xf32>
    %broadcast_in_dim3A_28 = vector.shape_cast %reduce_sum3A_27 : vector<128xf32> to vector<1x128xf32>
    %div3A_29 = arith.constant 1.000000e+04 : f32
    %div3A_30 = vector.broadcast %div3A_29 : f32 to vector<1x128xf32>
    %div3A_31 = arith.divf %broadcast_in_dim3A_28, %div3A_30 : vector<1x128xf32>
    %get3A_32 = arith.constant 0 : index
    %get3A_33 = arith.constant 0 : index
    %get3A_34 = vector.load %arg4[%get3A_32, %get3A_33] : memref<1x128xf32, #tpu.memory_space<vmem>>, vector<1x128xf32>
    %add3A_35 = arith.constant 9.99999974E-6 : f32
    %add3A_36 = vector.broadcast %add3A_35 : f32 to vector<1x128xf32>
    %add3A_37 = arith.addf %div3A_31, %add3A_36 : vector<1x128xf32>
    %rsqrt3A = math.rsqrt %add3A_37 : vector<1x128xf32>
    %mul3A_38 = arith.mulf %get3A_34, %rsqrt3A : vector<1x128xf32>
    %mul3A_39 = vector.broadcast %mul3A_38 : vector<1x128xf32> to vector<10000x128xf32>
    %mul3A_40 = arith.mulf %sub3A_25, %mul3A_39 : vector<10000x128xf32>
    %get3A_41 = arith.constant 0 : index
    %get3A_42 = arith.constant 0 : index
    %get3A_43 = vector.load %arg5[%get3A_41, %get3A_42] : memref<1x128xf32, #tpu.memory_space<vmem>>, vector<1x128xf32>
    %add3A_44 = vector.broadcast %get3A_43 : vector<1x128xf32> to vector<10000x128xf32>
    %add3A_45 = arith.addf %mul3A_40, %add3A_44 : vector<10000x128xf32>
    %get3A_46 = arith.constant 0 : index
    %get3A_47 = arith.constant 0 : index
    %get3A_48 = vector.load %arg6[%get3A_46, %get3A_47] : memref<128x128xf32, #tpu.memory_space<vmem>>, vector<128x128xf32>
    %dot_general3A_49 = arith.constant dense<0.000000e+00> : vector<10000x128xf32>
    %dot_general3A_50 = tpu.matmul %add3A_45, %get3A_48, %dot_general3A_49 {dimension_numbers = #tpu.dot_dimension_numbers<[1], [0], [0], [1], [0, 0, 1, 1], [], []>, transpose_lhs_hint = false} : vector<10000x128xf32>, vector<128x128xf32>, vector<10000x128xf32> -> vector<10000x128xf32>
    %get3A_51 = arith.constant 0 : index
    %get3A_52 = arith.constant 0 : index
    %get3A_53 = vector.load %arg7[%get3A_51, %get3A_52] : memref<1x128xf32, #tpu.memory_space<vmem>>, vector<1x128xf32>
    %add3A_54 = vector.broadcast %get3A_53 : vector<1x128xf32> to vector<10000x128xf32>
    %add3A_55 = arith.addf %dot_general3A_50, %add3A_54 : vector<10000x128xf32>
    %reduce_sum3A_56 = arith.constant dense<0.000000e+00> : vector<128xf32>
    %reduce_sum3A_57 = vector.multi_reduction <add>, %add3A_55, %reduce_sum3A_56 [0] : vector<10000x128xf32> to vector<128xf32>
    %broadcast_in_dim3A_58 = vector.shape_cast %reduce_sum3A_57 : vector<128xf32> to vector<1x128xf32>
    %div3A_59 = arith.constant 1.000000e+04 : f32
    %div3A_60 = vector.broadcast %div3A_59 : f32 to vector<1x128xf32>
    %div3A_61 = arith.divf %broadcast_in_dim3A_58, %div3A_60 : vector<1x128xf32>
    %sub3A_62 = vector.broadcast %div3A_61 : vector<1x128xf32> to vector<10000x128xf32>
    %sub3A_63 = arith.subf %add3A_55, %sub3A_62 : vector<10000x128xf32>
    %mul3A_64 = arith.mulf %sub3A_63, %sub3A_63 : vector<10000x128xf32>
    %reduce_sum3A_65 = arith.constant dense<0.000000e+00> : vector<128xf32>
    %reduce_sum3A_66 = vector.multi_reduction <add>, %mul3A_64, %reduce_sum3A_65 [0] : vector<10000x128xf32> to vector<128xf32>
    %broadcast_in_dim3A_67 = vector.shape_cast %reduce_sum3A_66 : vector<128xf32> to vector<1x128xf32>
    %div3A_68 = arith.constant 1.000000e+04 : f32
    %div3A_69 = vector.broadcast %div3A_68 : f32 to vector<1x128xf32>
    %div3A_70 = arith.divf %broadcast_in_dim3A_67, %div3A_69 : vector<1x128xf32>
    %get3A_71 = arith.constant 0 : index
    %get3A_72 = arith.constant 0 : index
    %get3A_73 = vector.load %arg8[%get3A_71, %get3A_72] : memref<1x128xf32, #tpu.memory_space<vmem>>, vector<1x128xf32>
    %add3A_74 = arith.constant 9.99999974E-6 : f32
    %add3A_75 = vector.broadcast %add3A_74 : f32 to vector<1x128xf32>
    %add3A_76 = arith.addf %div3A_70, %add3A_75 : vector<1x128xf32>
    %rsqrt3A_77 = math.rsqrt %add3A_76 : vector<1x128xf32>
    %mul3A_78 = arith.mulf %get3A_73, %rsqrt3A_77 : vector<1x128xf32>
    %get3A_79 = arith.constant 0 : index
    %get3A_80 = arith.constant 0 : index
    %get3A_81 = vector.load %arg10[%get3A_79, %get3A_80] : memref<1x128xf32, #tpu.memory_space<vmem>>, vector<1x128xf32>
    %mul3A_82 = arith.mulf %mul3A_78, %get3A_81 : vector<1x128xf32>
    %mul3A_83 = arith.mulf %mul3A_78, %mul3A_78 : vector<1x128xf32>
    %mul3A_84 = arith.mulf %mul3A_83, %div3A_70 : vector<1x128xf32>
    %add3A_85 = arith.constant 9.99999974E-6 : f32
    %add3A_86 = vector.broadcast %add3A_85 : f32 to vector<1x128xf32>
    %add3A_87 = arith.addf %mul3A_84, %add3A_86 : vector<1x128xf32>
    %rsqrt3A_88 = math.rsqrt %add3A_87 : vector<1x128xf32>
    %mul3A_89 = arith.mulf %mul3A_82, %rsqrt3A_88 : vector<1x128xf32>
    %sub3A_90 = vector.broadcast %div3A_61 : vector<1x128xf32> to vector<10000x128xf32>
    %sub3A_91 = arith.subf %add3A_55, %sub3A_90 : vector<10000x128xf32>
    %mul3A_92 = vector.broadcast %mul3A_89 : vector<1x128xf32> to vector<10000x128xf32>
    %mul3A_93 = arith.mulf %sub3A_91, %mul3A_92 : vector<10000x128xf32>
    %get3A_94 = arith.constant 0 : index
    %get3A_95 = arith.constant 0 : index
    %get3A_96 = vector.load %arg11[%get3A_94, %get3A_95] : memref<1x128xf32, #tpu.memory_space<vmem>>, vector<1x128xf32>
    %add3A_97 = vector.broadcast %get3A_96 : vector<1x128xf32> to vector<10000x128xf32>
    %add3A_98 = arith.addf %mul3A_93, %add3A_97 : vector<10000x128xf32>
    %max3A = arith.constant 0.000000e+00 : f32
    %max3A_99 = vector.broadcast %max3A : f32 to vector<10000x128xf32>
    %max3A_100 = arith.maximumf %add3A_98, %max3A_99 : vector<10000x128xf32>
    %swap3A = arith.constant 0 : index
    %swap3A_101 = arith.constant 0 : index
    %swap3A_102 = vector.load %arg12[%swap3A, %swap3A_101] : memref<10000x128xf32, #tpu.memory_space<vmem>>, vector<10000x128xf32>
    tpu.vector_store %arg12[%swap3A, %swap3A_101], %max3A_100 {strides = array<i32>} : memref<10000x128xf32, #tpu.memory_space<vmem>>, vector<10000x128xf32>,
    return
  }
}

module attributes {stable_mosaic.version = 14 : i64} {
  func.func @_mlp_pool_body(%arg0: memref<2x10240x128xf32, #tpu.memory_space<vmem>>, %arg1: memref<10000x128xf32, #tpu.memory_space<vmem>>, %arg2: memref<128x128xf32, #tpu.memory_space<vmem>>, %arg3: memref<1x128xf32, #tpu.memory_space<vmem>>, %arg4: memref<1x128xf32, #tpu.memory_space<vmem>>, %arg5: memref<1x128xf32, #tpu.memory_space<vmem>>, %arg6: memref<128x128xf32, #tpu.memory_space<vmem>>, %arg7: memref<1x128xf32, #tpu.memory_space<vmem>>, %arg8: memref<1x128xf32, #tpu.memory_space<vmem>>, %arg9: memref<1x128xf32, #tpu.memory_space<vmem>>, %arg10: memref<1x128xf32, #tpu.memory_space<vmem>>, %arg11: memref<1x128xf32, #tpu.memory_space<vmem>>, %arg12: memref<10000x1xi32, #tpu.memory_space<vmem>>, %arg13: memref<128x128xf32, #tpu.memory_space<vmem>>, %arg14: memref<1x128xf32, #tpu.memory_space<vmem>>, %arg15: memref<64x128xf32, #tpu.memory_space<vmem>>, %arg16: memref<64x128xf32, #tpu.memory_space<vmem>>, %arg17: memref<10000x128xf32, #tpu.memory_space<vmem>>) attributes {dimension_semantics = [], scalar_prefetch = 0 : i64, scratch_operands = 2 : i64, tpu.core_type = #tpu.core_type<tc>} {
    %get3A = arith.constant 0 : index
    %get3A_0 = arith.constant 0 : index
    %get3A_1 = arith.constant 0 : index
    %get3A_2 = vector.load %arg0[%get3A, %get3A_0, %get3A_1] : memref<2x10240x128xf32, #tpu.memory_space<vmem>>, vector<1x10000x128xf32>
    %get3A_3 = vector.shape_cast %get3A_2 : vector<1x10000x128xf32> to vector<10000x128xf32>
    %get3A_4 = arith.constant 1 : index
    %get3A_5 = arith.constant 0 : index
    %get3A_6 = arith.constant 0 : index
    %get3A_7 = vector.load %arg0[%get3A_4, %get3A_5, %get3A_6] : memref<2x10240x128xf32, #tpu.memory_space<vmem>>, vector<1x10000x128xf32>
    %get3A_8 = vector.shape_cast %get3A_7 : vector<1x10000x128xf32> to vector<10000x128xf32>
    %add3A = arith.addf %get3A_3, %get3A_8 : vector<10000x128xf32>
    %get3A_9 = arith.constant 0 : index
    %get3A_10 = arith.constant 0 : index
    %get3A_11 = vector.load %arg1[%get3A_9, %get3A_10] : memref<10000x128xf32, #tpu.memory_space<vmem>>, vector<10000x128xf32>
    %add3A_12 = arith.addf %add3A, %get3A_11 : vector<10000x128xf32>
    %get3A_13 = arith.constant 0 : index
    %get3A_14 = arith.constant 0 : index
    %get3A_15 = vector.load %arg2[%get3A_13, %get3A_14] : memref<128x128xf32, #tpu.memory_space<vmem>>, vector<128x128xf32>
    %dot_general3A = arith.constant dense<0.000000e+00> : vector<10000x128xf32>
    %dot_general3A_16 = tpu.matmul %add3A_12, %get3A_15, %dot_general3A {dimension_numbers = #tpu.dot_dimension_numbers<[1], [0], [0], [1], [0, 0, 1, 1], [], []>, transpose_lhs_hint = false} : vector<10000x128xf32>, vector<128x128xf32>, vector<10000x128xf32> -> vector<10000x128xf32>
    %get3A_17 = arith.constant 0 : index
    %get3A_18 = arith.constant 0 : index
    %get3A_19 = vector.load %arg3[%get3A_17, %get3A_18] : memref<1x128xf32, #tpu.memory_space<vmem>>, vector<1x128xf32>
    %add3A_20 = vector.broadcast %get3A_19 : vector<1x128xf32> to vector<10000x128xf32>
    %add3A_21 = arith.addf %dot_general3A_16, %add3A_20 : vector<10000x128xf32>
    %reduce_sum3A = arith.constant dense<0.000000e+00> : vector<128xf32>
    %reduce_sum3A_22 = vector.multi_reduction <add>, %add3A_21, %reduce_sum3A [0] : vector<10000x128xf32> to vector<128xf32>
    %broadcast_in_dim3A = vector.shape_cast %reduce_sum3A_22 : vector<128xf32> to vector<1x128xf32>
    %div3A = arith.constant 1.000000e+04 : f32
    %div3A_23 = vector.broadcast %div3A : f32 to vector<1x128xf32>
    %div3A_24 = arith.divf %broadcast_in_dim3A, %div3A_23 : vector<1x128xf32>
    %sub3A = vector.broadcast %div3A_24 : vector<1x128xf32> to vector<10000x128xf32>
    %sub3A_25 = arith.subf %add3A_21, %sub3A : vector<10000x128xf32>
    %mul3A = arith.mulf %sub3A_25, %sub3A_25 : vector<10000x128xf32>
    %reduce_sum3A_26 = arith.constant dense<0.000000e+00> : vector<128xf32>
    %reduce_sum3A_27 = vector.multi_reduction <add>, %mul3A, %reduce_sum3A_26 [0] : vector<10000x128xf32> to vector<128xf32>
    %broadcast_in_dim3A_28 = vector.shape_cast %reduce_sum3A_27 : vector<128xf32> to vector<1x128xf32>
    %div3A_29 = arith.constant 1.000000e+04 : f32
    %div3A_30 = vector.broadcast %div3A_29 : f32 to vector<1x128xf32>
    %div3A_31 = arith.divf %broadcast_in_dim3A_28, %div3A_30 : vector<1x128xf32>
    %get3A_32 = arith.constant 0 : index
    %get3A_33 = arith.constant 0 : index
    %get3A_34 = vector.load %arg4[%get3A_32, %get3A_33] : memref<1x128xf32, #tpu.memory_space<vmem>>, vector<1x128xf32>
    %add3A_35 = arith.constant 9.99999974E-6 : f32
    %add3A_36 = vector.broadcast %add3A_35 : f32 to vector<1x128xf32>
    %add3A_37 = arith.addf %div3A_31, %add3A_36 : vector<1x128xf32>
    %rsqrt3A = math.rsqrt %add3A_37 : vector<1x128xf32>
    %mul3A_38 = arith.mulf %get3A_34, %rsqrt3A : vector<1x128xf32>
    %mul3A_39 = vector.broadcast %mul3A_38 : vector<1x128xf32> to vector<10000x128xf32>
    %mul3A_40 = arith.mulf %sub3A_25, %mul3A_39 : vector<10000x128xf32>
    %get3A_41 = arith.constant 0 : index
    %get3A_42 = arith.constant 0 : index
    %get3A_43 = vector.load %arg5[%get3A_41, %get3A_42] : memref<1x128xf32, #tpu.memory_space<vmem>>, vector<1x128xf32>
    %add3A_44 = vector.broadcast %get3A_43 : vector<1x128xf32> to vector<10000x128xf32>
    %add3A_45 = arith.addf %mul3A_40, %add3A_44 : vector<10000x128xf32>
    %get3A_46 = arith.constant 0 : index
    %get3A_47 = arith.constant 0 : index
    %get3A_48 = vector.load %arg6[%get3A_46, %get3A_47] : memref<128x128xf32, #tpu.memory_space<vmem>>, vector<128x128xf32>
    %dot_general3A_49 = arith.constant dense<0.000000e+00> : vector<10000x128xf32>
    %dot_general3A_50 = tpu.matmul %add3A_45, %get3A_48, %dot_general3A_49 {dimension_numbers = #tpu.dot_dimension_numbers<[1], [0], [0], [1], [0, 0, 1, 1], [], []>, transpose_lhs_hint = false} : vector<10000x128xf32>, vector<128x128xf32>, vector<10000x128xf32> -> vector<10000x128xf32>
    %get3A_51 = arith.constant 0 : index
    %get3A_52 = arith.constant 0 : index
    %get3A_53 = vector.load %arg7[%get3A_51, %get3A_52] : memref<1x128xf32, #tpu.memory_space<vmem>>, vector<1x128xf32>
    %add3A_54 = vector.broadcast %get3A_53 : vector<1x128xf32> to vector<10000x128xf32>
    %add3A_55 = arith.addf %dot_general3A_50, %add3A_54 : vector<10000x128xf32>
    %reduce_sum3A_56 = arith.constant dense<0.000000e+00> : vector<128xf32>
    %reduce_sum3A_57 = vector.multi_reduction <add>, %add3A_55, %reduce_sum3A_56 [0] : vector<10000x128xf32> to vector<128xf32>
    %broadcast_in_dim3A_58 = vector.shape_cast %reduce_sum3A_57 : vector<128xf32> to vector<1x128xf32>
    %div3A_59 = arith.constant 1.000000e+04 : f32
    %div3A_60 = vector.broadcast %div3A_59 : f32 to vector<1x128xf32>
    %div3A_61 = arith.divf %broadcast_in_dim3A_58, %div3A_60 : vector<1x128xf32>
    %sub3A_62 = vector.broadcast %div3A_61 : vector<1x128xf32> to vector<10000x128xf32>
    %sub3A_63 = arith.subf %add3A_55, %sub3A_62 : vector<10000x128xf32>
    %mul3A_64 = arith.mulf %sub3A_63, %sub3A_63 : vector<10000x128xf32>
    %reduce_sum3A_65 = arith.constant dense<0.000000e+00> : vector<128xf32>
    %reduce_sum3A_66 = vector.multi_reduction <add>, %mul3A_64, %reduce_sum3A_65 [0] : vector<10000x128xf32> to vector<128xf32>
    %broadcast_in_dim3A_67 = vector.shape_cast %reduce_sum3A_66 : vector<128xf32> to vector<1x128xf32>
    %div3A_68 = arith.constant 1.000000e+04 : f32
    %div3A_69 = vector.broadcast %div3A_68 : f32 to vector<1x128xf32>
    %div3A_70 = arith.divf %broadcast_in_dim3A_67, %div3A_69 : vector<1x128xf32>
    %get3A_71 = arith.constant 0 : index
    %get3A_72 = arith.constant 0 : index
    %get3A_73 = vector.load %arg8[%get3A_71, %get3A_72] : memref<1x128xf32, #tpu.memory_space<vmem>>, vector<1x128xf32>
    %add3A_74 = arith.constant 9.99999974E-6 : f32
    %add3A_75 = vector.broadcast %add3A_74 : f32 to vector<1x128xf32>
    %add3A_76 = arith.addf %div3A_70, %add3A_75 : vector<1x128xf32>
    %rsqrt3A_77 = math.rsqrt %add3A_76 : vector<1x128xf32>
    %mul3A_78 = arith.mulf %get3A_73, %rsqrt3A_77 : vector<1x128xf32>
    %get3A_79 = arith.constant 0 : index
    %get3A_80 = arith.constant 0 : index
    %get3A_81 = vector.load %arg10[%get3A_79, %get3A_80] : memref<1x128xf32, #tpu.memory_space<vmem>>, vector<1x128xf32>
    %mul3A_82 = arith.mulf %mul3A_78, %get3A_81 : vector<1x128xf32>
    %mul3A_83 = arith.mulf %mul3A_78, %mul3A_78 : vector<1x128xf32>
    %mul3A_84 = arith.mulf %mul3A_83, %div3A_70 : vector<1x128xf32>
    %add3A_85 = arith.constant 9.99999974E-6 : f32
    %add3A_86 = vector.broadcast %add3A_85 : f32 to vector<1x128xf32>
    %add3A_87 = arith.addf %mul3A_84, %add3A_86 : vector<1x128xf32>
    %rsqrt3A_88 = math.rsqrt %add3A_87 : vector<1x128xf32>
    %mul3A_89 = arith.mulf %mul3A_82, %rsqrt3A_88 : vector<1x128xf32>
    %sub3A_90 = vector.broadcast %div3A_61 : vector<1x128xf32> to vector<10000x128xf32>
    %sub3A_91 = arith.subf %add3A_55, %sub3A_90 : vector<10000x128xf32>
    %mul3A_92 = vector.broadcast %mul3A_89 : vector<1x128xf32> to vector<10000x128xf32>
    %mul3A_93 = arith.mulf %sub3A_91, %mul3A_92 : vector<10000x128xf32>
    %get3A_94 = arith.constant 0 : index
    %get3A_95 = arith.constant 0 : index
    %get3A_96 = vector.load %arg11[%get3A_94, %get3A_95] : memref<1x128xf32, #tpu.memory_space<vmem>>, vector<1x128xf32>
    %add3A_97 = vector.broadcast %get3A_96 : vector<1x128xf32> to vector<10000x128xf32>
    %add3A_98 = arith.addf %mul3A_93, %add3A_97 : vector<10000x128xf32>
    %max3A = arith.constant 0.000000e+00 : f32
    %max3A_99 = vector.broadcast %max3A : f32 to vector<10000x128xf32>
    %max3A_100 = arith.maximumf %add3A_98, %max3A_99 : vector<10000x128xf32>
    %swap3A = arith.constant 0 : index
    %swap3A_101 = arith.constant 0 : index
    %swap3A_102 = vector.load %arg17[%swap3A, %swap3A_101] : memref<10000x128xf32, #tpu.memory_space<vmem>>, vector<10000x128xf32>
    tpu.vector_store %arg17[%swap3A, %swap3A_101], %max3A_100 {strides = array<i32>} : memref<10000x128xf32, #tpu.memory_space<vmem>>, vector<10000x128xf32>,
    %get3A_103 = arith.constant 0 : index
    %get3A_104 = arith.constant 0 : index
    %get3A_105 = vector.load %arg12[%get3A_103, %get3A_104] : memref<10000x1xi32, #tpu.memory_space<vmem>>, vector<10000x1xi32>
    %scan3A = arith.constant 0 : i32
    %scan3A_106 = arith.constant 0 : i32
    %scan3A_107 = arith.constant 64 : i32
    %scan3A_108 = arith.addi %scan3A_106, %scan3A_107 : i32
    %scan3A_109 = arith.constant 1 : i32
    %scan3A_110 = scf.for %scan3A_128 = %scan3A_106 to %scan3A_108 step %scan3A_109 iter_args(%scan3A_129 = %scan3A) -> (i32)  : i32 {
      %le3A = vector.broadcast %scan3A_128 : i32 to vector<10000x1xi32>
      %le3A_130 = arith.cmpi sle, %get3A_105, %le3A : vector<10000x1xi32>
      %convert_element_type3A = arith.extui %le3A_130 : vector<10000x1xi1> to vector<10000x1xi32>
      %reduce_sum3A_131 = vector.shape_cast %convert_element_type3A : vector<10000x1xi32> to vector<1x10000x1xi32>
      %reduce_sum3A_132 = arith.constant dense<0> : vector<1xi32>
      %reduce_sum3A_133 = vector.multi_reduction <add>, %reduce_sum3A_131, %reduce_sum3A_132 [1, 2] : vector<1x10000x1xi32> to vector<1xi32>
      %reduce_sum3A_134 = vector.shape_cast %reduce_sum3A_133 : vector<1xi32> to vector<1x1x1xi32>
      %reduce_sum3A_135 = vector.extract %reduce_sum3A_134[0, 0, 0] : i32 from vector<1x1x1xi32>
      %sub3A_136 = arith.subi %reduce_sum3A_135, %scan3A_129 : i32
      %add3A_137 = arith.constant 31 : i32
      %add3A_138 = arith.addi %sub3A_136, %add3A_137 : i32
      %jit3A = arith.constant 32 : i32
      %div3A_139 = arith.divsi %add3A_138, %jit3A : i32
      %sign3A = arith.constant 0 : i32
      %sign3A_140 = arith.cmpi sgt, %add3A_138, %sign3A : i32
      %sign3A_141 = arith.extui %sign3A_140 : i1 to i32
      %sign3A_142 = arith.constant 0 : i32
      %sign3A_143 = arith.cmpi slt, %add3A_138, %sign3A_142 : i32
      %sign3A_144 = arith.extui %sign3A_143 : i1 to i32
      %sign3A_145 = arith.subi %sign3A_141, %sign3A_144 : i32
      %sign3A_146 = arith.constant 0 : i32
      %sign3A_147 = arith.cmpi sgt, %jit3A, %sign3A_146 : i32
      %sign3A_148 = arith.extui %sign3A_147 : i1 to i32
      %sign3A_149 = arith.constant 0 : i32
      %sign3A_150 = arith.cmpi slt, %jit3A, %sign3A_149 : i32
      %sign3A_151 = arith.extui %sign3A_150 : i1 to i32
      %sign3A_152 = arith.subi %sign3A_148, %sign3A_151 : i32
      %ne3A = arith.cmpi ne, %sign3A_145, %sign3A_152 : i32
      %rem3A = arith.remsi %add3A_138, %jit3A : i32
      %ne3A_153 = arith.constant 0 : i32
      %ne3A_154 = arith.cmpi ne, %rem3A, %ne3A_153 : i32
      %and3A = arith.andi %ne3A, %ne3A_154 : i1
      %sub3A_155 = arith.constant 1 : i32
      %sub3A_156 = arith.subi %div3A_139, %sub3A_155 : i32
      %select_n3A = arith.select %and3A, %sub3A_156, %div3A_139 : i32
      %broadcast_in_dim3A_157 = arith.constant 0xFF800000 : f32
      %broadcast_in_dim3A_158 = vector.broadcast %broadcast_in_dim3A_157 : f32 to vector<1x128xf32>
      %while3A = arith.constant 0 : i32
      %while3A_159 = arith.subi %select_n3A, %while3A : i32
      %while3A_160 = arith.addi %while3A, %while3A_159 : i32
      %while3A_161 = arith.constant 1 : i32
      %while3A_162 = arith.divsi %while3A_159, %while3A_161 : i32
      %while3A_163 = arith.muli %while3A_162, %while3A_161 : i32
      %while3A_164 = arith.addi %while3A, %while3A_163 : i32
      %while3A_165 = arith.constant 1 : i32
      %while3A_166 = scf.for %while3A_172 = %while3A to %while3A_164 step %while3A_165 iter_args(%while3A_173 = %broadcast_in_dim3A_158) -> (vector<1x128xf32>)  : i32 {
        %mul3A_174 = arith.constant 32 : i32
        %mul3A_175 = arith.muli %mul3A_174, %while3A_172 : i32
        %add3A_176 = arith.addi %scan3A_129, %mul3A_175 : i32
        %min3A = arith.constant 9968 : i32
        %min3A_177 = arith.minsi %add3A_176, %min3A : i32
        %get3A_178 = arith.index_cast %min3A_177 : i32 to index
        %get3A_179 = arith.constant 0 : index
        %get3A_180 = vector.load %arg17[%get3A_178, %get3A_179] : memref<10000x128xf32, #tpu.memory_space<vmem>>, vector<32x128xf32>
        %iota3A = tpu.iota {dimensions = array<i32: 0>} : vector<32x1xi32>
        %add3A_181 = vector.broadcast %min3A_177 : i32 to vector<32x1xi32>
        %add3A_182 = arith.addi %add3A_181, %iota3A : vector<32x1xi32>
        %ge3A = vector.broadcast %scan3A_129 : i32 to vector<32x1xi32>
        %ge3A_183 = arith.cmpi sge, %add3A_182, %ge3A : vector<32x1xi32>
        %lt3A = vector.broadcast %reduce_sum3A_135 : i32 to vector<32x1xi32>
        %lt3A_184 = arith.cmpi slt, %add3A_182, %lt3A : vector<32x1xi32>
        %and3A_185 = arith.andi %ge3A_183, %lt3A_184 : vector<32x1xi1>
        %jit3A_186 = arith.constant 0xFF800000 : f32
        %broadcast_in_dim3A_187 = vector.shape_cast %and3A_185 : vector<32x1xi1> to vector<32x1xi1>
        %broadcast_in_dim3A_188 = vector.broadcast %broadcast_in_dim3A_187 : vector<32x1xi1> to vector<32x128xi1>
        %broadcast_in_dim3A_189 = vector.broadcast %jit3A_186 : f32 to vector<32x128xf32>
        %select_n3A_190 = arith.select %broadcast_in_dim3A_188, %get3A_180, %broadcast_in_dim3A_189 : vector<32x128xi1>, vector<32x128xf32>
        %reduce_max3A = arith.constant dense<0xFF800000> : vector<128xf32>
        %reduce_max3A_191 = vector.multi_reduction <maximumf>, %select_n3A_190, %reduce_max3A [0] : vector<32x128xf32> to vector<128xf32>
        %broadcast_in_dim3A_192 = vector.shape_cast %reduce_max3A_191 : vector<128xf32> to vector<1x128xf32>
        %max3A_193 = arith.maximumf %while3A_173, %broadcast_in_dim3A_192 : vector<1x128xf32>
        scf.yield %max3A_193 : vector<1x128xf32>
      }
      %while3A_167 = arith.constant 1 : i32
      %while3A_168 = scf.for %while3A_172 = %while3A_164 to %while3A_160 step %while3A_167 iter_args(%while3A_173 = %while3A_166) -> (vector<1x128xf32>)  : i32 {
        %mul3A_174 = arith.constant 32 : i32
        %mul3A_175 = arith.muli %mul3A_174, %while3A_172 : i32
        %add3A_176 = arith.addi %scan3A_129, %mul3A_175 : i32
        %min3A = arith.constant 9968 : i32
        %min3A_177 = arith.minsi %add3A_176, %min3A : i32
        %get3A_178 = arith.index_cast %min3A_177 : i32 to index
        %get3A_179 = arith.constant 0 : index
        %get3A_180 = vector.load %arg17[%get3A_178, %get3A_179] : memref<10000x128xf32, #tpu.memory_space<vmem>>, vector<32x128xf32>
        %iota3A = tpu.iota {dimensions = array<i32: 0>} : vector<32x1xi32>
        %add3A_181 = vector.broadcast %min3A_177 : i32 to vector<32x1xi32>
        %add3A_182 = arith.addi %add3A_181, %iota3A : vector<32x1xi32>
        %ge3A = vector.broadcast %scan3A_129 : i32 to vector<32x1xi32>
        %ge3A_183 = arith.cmpi sge, %add3A_182, %ge3A : vector<32x1xi32>
        %lt3A = vector.broadcast %reduce_sum3A_135 : i32 to vector<32x1xi32>
        %lt3A_184 = arith.cmpi slt, %add3A_182, %lt3A : vector<32x1xi32>
        %and3A_185 = arith.andi %ge3A_183, %lt3A_184 : vector<32x1xi1>
        %jit3A_186 = arith.constant 0xFF800000 : f32
        %broadcast_in_dim3A_187 = vector.shape_cast %and3A_185 : vector<32x1xi1> to vector<32x1xi1>
        %broadcast_in_dim3A_188 = vector.broadcast %broadcast_in_dim3A_187 : vector<32x1xi1> to vector<32x128xi1>
        %broadcast_in_dim3A_189 = vector.broadcast %jit3A_186 : f32 to vector<32x128xf32>
        %select_n3A_190 = arith.select %broadcast_in_dim3A_188, %get3A_180, %broadcast_in_dim3A_189 : vector<32x128xi1>, vector<32x128xf32>
        %reduce_max3A = arith.constant dense<0xFF800000> : vector<128xf32>
        %reduce_max3A_191 = vector.multi_reduction <maximumf>, %select_n3A_190, %reduce_max3A [0] : vector<32x128xf32> to vector<128xf32>
        %broadcast_in_dim3A_192 = vector.shape_cast %reduce_max3A_191 : vector<128xf32> to vector<1x128xf32>
        %max3A_193 = arith.maximumf %while3A_173, %broadcast_in_dim3A_192 : vector<1x128xf32>
        scf.yield %max3A_193 : vector<1x128xf32>
      }
      %swap3A_169 = arith.index_cast %scan3A_128 : i32 to index
      %swap3A_170 = arith.constant 0 : index
      %swap3A_171 = vector.load %arg16[%swap3A_169, %swap3A_170] : memref<64x128xf32, #tpu.memory_space<vmem>>, vector<1x128xf32>
      tpu.vector_store %arg16[%swap3A_169, %swap3A_170], %while3A_168 {strides = array<i32>} : memref<64x128xf32, #tpu.memory_space<vmem>>, vector<1x128xf32>,
      scf.yield %reduce_sum3A_135 : i32
    }
    %scan3A_111 = arith.constant 64 : i32
    %get3A_112 = arith.constant 0 : index
    %get3A_113 = arith.constant 0 : index
    %get3A_114 = vector.load %arg16[%get3A_112, %get3A_113] : memref<64x128xf32, #tpu.memory_space<vmem>>, vector<64x128xf32>
    %get3A_115 = arith.constant 0 : index
    %get3A_116 = arith.constant 0 : index
    %get3A_117 = vector.load %arg13[%get3A_115, %get3A_116] : memref<128x128xf32, #tpu.memory_space<vmem>>, vector<128x128xf32>
    %dot_general3A_118 = arith.constant dense<0.000000e+00> : vector<64x128xf32>
    %dot_general3A_119 = tpu.matmul %get3A_114, %get3A_117, %dot_general3A_118 {dimension_numbers = #tpu.dot_dimension_numbers<[1], [0], [0], [1], [0, 0, 1, 1], [], []>, transpose_lhs_hint = false} : vector<64x128xf32>, vector<128x128xf32>, vector<64x128xf32> -> vector<64x128xf32>
    %get3A_120 = arith.constant 0 : index
    %get3A_121 = arith.constant 0 : index
    %get3A_122 = vector.load %arg14[%get3A_120, %get3A_121] : memref<1x128xf32, #tpu.memory_space<vmem>>, vector<1x128xf32>
    %add3A_123 = vector.broadcast %get3A_122 : vector<1x128xf32> to vector<64x128xf32>
    %add3A_124 = arith.addf %dot_general3A_119, %add3A_123 : vector<64x128xf32>
    %swap3A_125 = arith.constant 0 : index
    %swap3A_126 = arith.constant 0 : index
    %swap3A_127 = vector.load %arg15[%swap3A_125, %swap3A_126] : memref<64x128xf32, #tpu.memory_space<vmem>>, vector<64x128xf32>
    tpu.vector_store %arg15[%swap3A_125, %swap3A_126], %add3A_124 {strides = array<i32>} : memref<64x128xf32, #tpu.memory_space<vmem>>, vector<64x128xf32>,
    return
  }
}

</mosaic_0001>

<sc_bundles>
// kernel: kernel.11.cloned.1.call-start
scs
__scs_entry_jumppad:
0x0: {  	(pc) =	sbr.rel $0x88, $3  }
0x1: {  	(tag) =	ssettag $0x0;
	lr =	simm.s32 $0x1  }
0x2: {  	[smem:$0x3F92] =	sst lr;
	_ =	strace $0xD0000000  }
0x3: {  	_ = 	snop  }
0x4: {  	_ = 	snop  }
0x5: {  	_ = 	snop  }
0x6: {  	_ = 	snop  }
0x7: {  	_ = 	snop  }
__scs_overlays_trampoline_lowered:
0x8: {  	[smem:$0x3FA1] =	sst s0  }
0x9: {  	[smem:$0x3FA2] =	sst s1  }
0xa: {  	[smem:$0x3FA3] =	sst s2  }
0xb: {  	[smem:$0x3FA4] =	sst s3  }
0xc: {  	[smem:$0x3FA5] =	sst s4  }
0xd: {  	[smem:$0x3FA6] =	sst s5  }
0xe: {  	[smem:$0x3FA7] =	sst s6  }
0xf: {  	[smem:$0x3FA8] =	sst s7  }
0x10: {  	[smem:$0x3FA9] =	sst s8  }
0x11: {  	[smem:$0x3FAA] =	sst s9;
	s0 =	simm.s32 @!p0 $0x0  }
0x12: {  	s1 =	sld [smem:$0x3F90];
	s0 =	simm.s32 @p0 $0x1  }
0x13: {  	[smem:$0x3FAB] =	sst s0;
	s0 =	simm.s32 @!p1 $0x0  }
0x14: {  	s2 =	sld [smem:$0x3F8F];
	s0 =	simm.s32 @p1 $0x1  }
0x15: {  	[smem:$0x3FAC] =	sst s0;
	s0 =	simm.s32 @!p2 $0x0  }
0x16: {  	s3 =	sld [smem:$0x3FDB];
	s0 =	simm.s32 @p2 $0x1  }
0x17: {  	s4 =	simm.s32 $0x1BF5;
	[smem:$0x3FAE] =	sst s0  }
0x18: {  	s0 =	sld [smem:$0x3F91];
	_ =	swait.ge [sflag:s4], $0x0  }
0x19: {  	s7 =	sld [smem:$0x3F92]  }
0x1a: {  	s8 =	sadd.s32 $0xFFFFE003, lr  }
0x1b: {  	s9 =	sadd.s32 $0xFFFFFEF7, lr;
	s5 =	simm.s32 $0xFFFFFFFF;
	p2 =	slt.u32 s8, $0xFFFFF086  }
0x1c: {  	p1 =	slt.u32 s9, $0xF7A;
	s5 =	simm.s32 @!p2 $0x0  }
0x1d: {  	s5 =	simm.s32 @p1 $0x1;
	p0 =	seq.s32 s7, s2  }
0x1e: {  	s7 =	smul.u32 @!p0 $0xF7A, s2;
	p2 =	seq.s32 @!p0 s5, $0x0  }
0x1f: {  	s9 =	smul.u32 $0xF7A, s1;
	s8 =	simm.s32 @!p0 $0x1BF5;
	p2 =	por !p2, p0  }
0x20: {  	[sflag:s8] =	ssyncset.s32 @!p0 $0xFFFFF086;
	s6 =	sadd.s32 @!p0 s3, s7;
	s7 =	simm.s32 @!p0 $0x108  }
0x21: {  	s3 =	sadd.s32 s3, s9;
	s6 =	sadd.s32 @!p0 $0x88, s6;
	s7 =	simm.s32 @p2 $0x1082  }
0x22: {  	[simem:s7], [sflag:s8] =	dma.local @!p0 [hbm:s6], $0xF7A  }
0x23: {  	s9 =	sor.u32 $0xD0000000, s2;
	s6 =	simm.s32 $0x108;
	_ =	swait.ge @!p0 [sflag:s8], $0x0  }
0x24: {  	s3 =	sadd.s32 $0x88, s3;
	s6 =	simm.s32 @!p1 $0x1082;
	[sflag:s4] =	ssyncset.s32 $0xFFFFF086  }
0x25: {  	[simem:s6], [sflag:s4] =	dma.local [hbm:s3], $0xF7A  }
0x26: {  	[smem:$0x3F92] =	sst s1;
	(tag) =	ssettag s2;
	_ =	strace s9  }
0x27: {  	s1 =	sld [smem:$0x3FA2]  }
0x28: {  	s2 =	sld [smem:$0x3FA3]  }
0x29: {  	s4 =	sld [smem:$0x3FA5]  }
0x2a: {  	p0 =	seq.s32 s5, $0x0;
	s5 =	sld [smem:$0x3FA6]  }
0x2b: {  	s6 =	sld [smem:$0x3FA7]  }
0x2c: {  	s7 =	sld [smem:$0x3FA8]  }
0x2d: {  	s3 =	simm.s32 $0x108;
	s8 =	sld [smem:$0x3FA9]  }
0x2e: {  	s3 =	simm.s32 @!p0 $0x1082;
	s9 =	sld [smem:$0x3FAA]  }
0x2f: {  	lr =	sadd.s32 s0, s3;
	s0 =	sld [smem:$0x3FA1]  }
0x30: {  	s3 =	sld [smem:$0x3FA4]  }
0x31: {  	[smem:$0x3FAD] =	sst s10  }
0x32: {  	s10 =	sld [smem:$0x3FAB];
	_ =	sdelay $0x3  }
0x33: {  	p0 =	seq.s32 s10, $0x1;
	s10 =	sld [smem:$0x3FAD];
	_ =	sdelay $0x3  }
0x34: {  	[smem:$0x3FAD] =	sst s10  }
0x35: {  	s10 =	sld [smem:$0x3FAC];
	_ =	sdelay $0x3  }
0x36: {  	p1 =	seq.s32 s10, $0x1;
	s10 =	sld [smem:$0x3FAD];
	_ =	sdelay $0x3  }
0x37: {  	[smem:$0x3FAD] =	sst s10  }
0x38: {  	s10 =	sld [smem:$0x3FAE]  }
0x39: {  	_ = 	snop;
	(pc) =	sbr.ind lr, $3  }
0x3a: {  	_ = 	snop  }
0x3b: {  	_ = 	snop  }
0x3c: {  	p2 =	seq.s32 s10, $0x1;
	s10 =	sld [smem:$0x3FAD]  }
0x3d: {  	_ =	shalt  }
0x3e: {  	_ =	shalt  }
0x3f: {  	_ =	shalt  }
0x40: {  	_ =	shalt  }
0x41: {  	_ =	shalt  }
0x42: {  	_ =	shalt  }
0x43: {  	_ =	shalt  }
0x44: {  	_ =	shalt  }
0x45: {  	_ =	shalt  }
0x46: {  	_ =	shalt  }
0x47: {  	_ =	shalt  }
0x48: {  	_ =	shalt  }
0x49: {  	_ =	shalt  }
0x4a: {  	_ =	shalt  }
0x4b: {  	_ =	shalt  }
0x4c: {  	_ =	shalt  }
0x4d: {  	_ =	shalt  }
0x4e: {  	_ =	shalt  }
0x4f: {  	_ =	shalt  }
0x50: {  	_ =	shalt  }
0x51: {  	_ =	shalt  }
0x52: {  	_ =	shalt  }
0x53: {  	_ =	shalt  }
0x54: {  	_ =	shalt  }
0x55: {  	_ =	shalt  }
0x56: {  	_ =	shalt  }
0x57: {  	_ =	shalt  }
0x58: {  	_ =	shalt  }
0x59: {  	_ =	shalt  }
0x5a: {  	_ =	shalt  }
0x5b: {  	_ =	shalt  }
0x5c: {  	_ =	shalt  }
0x5d: {  	_ =	shalt  }
0x5e: {  	_ =	shalt  }
0x5f: {  	_ =	shalt  }
0x60: {  	_ =	shalt  }
0x61: {  	_ =	shalt  }
0x62: {  	_ =	shalt  }
0x63: {  	_ =	shalt  }
0x64: {  	_ =	shalt  }
0x65: {  	_ =	shalt  }
0x66: {  	_ =	shalt  }
0x67: {  	_ =	shalt  }
0x68: {  	_ =	shalt  }
0x69: {  	_ =	shalt  }
0x6a: {  	_ =	shalt  }
0x6b: {  	_ =	shalt  }
0x6c: {  	_ =	shalt  }
0x6d: {  	_ =	shalt  }
0x6e: {  	_ =	shalt  }
0x6f: {  	_ =	shalt  }
0x70: {  	_ =	shalt  }
0x71: {  	_ =	shalt  }
0x72: {  	_ =	shalt  }
0x73: {  	_ =	shalt  }
0x74: {  	_ =	shalt  }
0x75: {  	_ =	shalt  }
0x76: {  	_ =	shalt  }
0x77: {  	_ =	shalt  }
0x78: {  	_ =	shalt  }
0x79: {  	_ =	shalt  }
0x7a: {  	_ =	shalt  }
0x7b: {  	_ =	shalt  }
0x7c: {  	_ =	shalt  }
0x7d: {  	_ =	shalt  }
0x7e: {  	_ =	shalt  }
0x7f: {  	_ =	shalt  }
0x80: {  	_ =	shalt  }
0x81: {  	_ =	shalt  }
0x82: {  	_ =	shalt  }
0x83: {  	_ =	shalt  }
0x84: {  	_ =	shalt  }
0x85: {  	_ =	shalt  }
0x86: {  	_ =	shalt  }
0x87: {  	_ =	shalt  }
.Lfunc_end0:
.L_simem_size_0:
called_computation.1_lowered:
.L_overlay_start_0:
0x88: {  	s2 =	sld [smem:$0x3FD9]  }
0x89: {  	s3 =	sld [smem:$0x3FFE];
	_ =	sdelay $0x1  }
0x8a: {  	s1 =	srdreg.scid  }
0x8b: {  	s0 =	sand.u32 $0x1, s1  }
0x8c: {  	s16 =	sshll.u32 s0, $0xA;
	s2 =	sadd.s32 s3, s2  }
0x8d: {  	s2 =	sadd.s32 s2, s16  }
0x8e: {  	[smem:$0x3FB9] =	sst s2  }
0x8f: {  	_ = 	snop  }
0x90: {  	(tm) =	ssettm $0x1  }
0x91: {  	s17 =	sld [smem:$0x3FFB];
	_ =	sdelay $0x3  }
0x92: {  	_ =	strace s17  }
0x93: {  	s2 =	sld [smem:$0x3FFC];
	_ =	sdelay $0x3  }
0x94: {  	_ =	strace s2  }
0x95: {  	s2 =	sld [smem:$0x3FFD];
	_ =	sdelay $0x3  }
0x96: {  	_ =	strace s2  }
0x97: {  	_ =	strace $0x8FFFFFFF  }
0x98: {  	s18 =	sld [smem:$0x3FDB];
	_ =	sdelay $0x1  }
0x99: {  	s19 =	simm.s32 $_scs_section_size  }
0x9a: {  	s4 =	simm.s32 $_size__tile_overlayer_lowered;
	s5 =	simm.s32 $_tile_overlayer_lowered  }
0x9b: {  	s22 =	simm.s32 $0x1BFF;
	s21 =	sshll.u32 s5, $0x1;
	s2 =	sadd.s32 s19, s18  }
0x9c: {  	s6 =	simm.s32 $0x0;
	s20 =	sshll.u32 s4, $0x1;
	s4 =	sadd.s32 s21, s2  }
0x9d: {  	[timem:s6], [sflag:s22] =	dma.local [hbm:s4], s20  }
0x9e: {  	_ =	swait.ge [sflag:s22], s20  }
0x9f: {  	s3 =	ssub.s32 $0x0, s20;
	[sflag:s22] =	ssyncset.done $0x0  }
0xa0: {  	[sflag:s22] =	ssyncadd.s32 s3;
	_ =	sdelay $0x1  }
0xa1: {  	s23 =	simm.s32 $0x1B8B  }
0xa2: {  	_ =	swait.ge [sflag:s23], $0x1  }
0xa3: {  	[sflag:s23] =	ssyncset.done $0x0  }
0xa4: {  	s25 =	simm.s32 $0x1B8E;
	s24 =	sld [smem:$0x3FFE];
	[sflag:s23] =	ssyncadd.s32 $0xFFFFFFFF  }
0xa5: {  	s26 =	simm.s32 $execute0_lowered;
	[smem:$0x3FD2] =	sst s25  }
0xa6: {  	s4 =	sshll.u32 s26, $0x1;
	_ =	strace $0x80000049;
	[dreg:$0x1] =	wrdreg $0xFFFFFFFF  }
0xa7: {  	s28 =	simm.s32 $_size_execute0_lowered;
	s2 =	sadd.s32 s2, s4;
	[dreg:$0x0] =	wrdreg $0x0  }
0xa8: {  	s4 =	sshll.u32 s28, $0x1;
	[dreg:$0x2] =	wrdreg s2  }
0xa9: {  	[dreg:$0x3] =	wrdreg s4  }
0xaa: {  	[dreg:$0x4] =	wrdreg $0xC0  }
0xab: {  	_ =	task [dreg:s6], $0x5FFFF  }
0xac: {  	[dreg:$0x1] =	wrdreg $0xFFFFFFFF  }
0xad: {  	[dreg:$0x0] =	wrdreg $0x60  }
0xae: {  	[dreg:$0x2] =	wrdreg s24  }
0xaf: {  	[dreg:$0x3] =	wrdreg $0xA8000  }
0xb0: {  	[dreg:$0x4] =	wrdreg $0x9  }
0xb1: {  	_ =	task.clear_ibuf [dreg:s6], $0x5FFFF;
	_ =	strace $0x90000049  }
0xb2: {  	s29 =	simm.s32 $0x9;
	_ =	strace $0x8000004B  }
0xb3: {  	_ =	swait.ge [sflag:s29], $0x1  }
0xb4: {  	[sflag:s29] =	ssyncadd.s32 $0xFFFFFFFF  }
0xb5: {  	_ =	strace $0x9000004B  }
0xb6: {  	_ =	sfence  }
0xb7: {  	s30 =	sld [smem:$0x0];
	_ =	sdelay $0x2  }
0xb8: {  	s31 =	sshll.u32 s1, $0xD;
	s1 =	sshrl.u32 s1, $0x2  }
0xb9: {  	s3 =	sand.u32 $0x4000, s31;
	s1 =	sadd.s32 s1, s30  }
0xba: {  	s0 =	sor.u32 s3, s0;
	s1 =	sshll.u32 s1, $0x11  }
0xbb: {  	s0 =	sor.u32 s1, s0  }
0xbc: {  	s0 =	sadd.s32 $0x8F2B, s0  }
0xbd: {  	[sflag:s0] =	ssyncadd.remote.s32 $0x1  }
0xbe: {  	_ =	sfence.sel $0xFFFF  }
0xbf: {  	[dreg:$0x0] =	wrdreg $0xFFFFFFFF;
	(pc) =	sbr.abs _section_cstart, $3  }
0xc0: {  	[dreg:$0x1] =	wrdreg $0xFFFFFFFF  }
0xc1: {  	_ =	task.clear_ibuf [dreg:s6], $0x2FFFF;
	_ =	strace $0x9FFFFFFF  }
0xc2: {  	(tm) =	ssettm $0x7FFFFFFF  }
0xc3: {  	_ =	shalt  }
tec
execute0_lowered:
.L_overlay_start_1:
0x0: {  	(tag) =	ssettag $0x1  }
0x1: {  	s5 =	rddreg [dreg:$0x0]  }
0x2: {  	s1 =	rddreg [dreg:$0x1]  }
0x3: {  	s0 =	rddreg [dreg:$0x2];
	s3 =	simm.s32 $0x0;
	s4 =	srdreg.scid  }
0x4: {  	s2 =	stileid.u32;
	s14 =	simm.s32 $0x50;
	s15 =	simm.s32 $0x8000  }
0x5: {  	s16 =	simm.s32 $0x1;
	s17 =	simm.s32 $0x0;
	[smem:$0x7FF] =	sst s3  }
0x6: {  	s6 =	sand.u32 $0x1, s4;
	s30 =	sshll.u32 s2, $0xC;
	s8 =	smul.u32 $0x14000, s2  }
0x7: {  	s4 =	sadd.s32 $0x4B800, s5;
	s31 =	smul.u32 $0x50000, s2;
	s12 =	sshll.u32 s2, $0x6  }
0x8: {  	s7 =	sshll.u32 s6, $0xB;
	_ =	strace $0x8000004A;
	s9 =	smul.u32 $0x140000, s6  }
0x9: {  	s6 =	ssub.s32 $0x2, s6;
	s12 =	sor.u32 $0x1C02, s12;
	s7 =	sor.u32 s7, s30  }
0xa: {  	s10 =	sshrl.u32 s8, $0x3;
	s11 =	sshrl.u32 s6, $0x1;
	s7 =	sadd.s32 s7, s5  }
0xb: {  	s8 =	sadd.s32 s8, s9;
	s10 =	sadd.s32 s10, s5;
	s11 =	ssub.s32 s6, s11  }
0xc: {  	s9 =	sshrl.u32 s31, $0x2;
	s8 =	sshrl.u32 s8, $0x3;
	s6 =	sadd.s32 $0x13800, s7  }
0xd: {  	s13 =	sadd.s32 s9, s1;
	s9 =	smax.u32 s11, $0x1;
	s11 =	simm.s32 $0x4000  }
0xe: {  	s8 =	sadd.s32 s8, s5;
	s5 =	sadd.s32 $0x3800, s7;
	s7 =	sadd.s32 $0x23800, s10  }
0xf: {  	s10 =	simm.s32 $0x2;
	s13 =	sshrl.u32 s13, $0x3;
	s8 =	sadd.s32 $0x72A00, s8  }
.LBB2_1:
0x10: {  	[tilespmem:s3], [sflag:$0x2] =	stream.linear.gather [hbm4b:s5+s3], $0x3E80, $0x38;
	[tilespmem:$0x1E800] =	vst v63  }
0x11: {  	_ =	swait.ge [sflag:s10], $0x3E80  }
0x12: {  	[sflag:s10] =	ssyncset.done $0x0  }
0x13: {  	[sflag:s10] =	ssyncadd.s32 $0xFFFFC180  }
0x14: {  	[tilespmem:s11], [sflag:$0x2] =	stream.linear.gather [hbm4b:s6+s3], $0x3E80, $0x38;
	[tilespmem:$0x1E800] =	vst v63  }
0x15: {  	_ =	swait.ge [sflag:s10], $0x3E80  }
0x16: {  	[sflag:s10] =	ssyncset.done $0x0  }
0x17: {  	[sflag:s10] =	ssyncadd.s32 $0xFFFFC180  }
0x18: {  	[spmem:s13], [sflag:s12] =	dma.local [hbm:s7], $0x2800  }
0x19: {  	_ =	swait.ge [sflag:s10], $0x2800  }
0x1a: {  	[sflag:s10] =	ssyncset.done $0x0  }
0x1b: {  	[sflag:s10] =	ssyncadd.s32 $0xFFFFD800  }
0x1c: {  	s18 =	simm.s32 $0x0;
	[bflag:$0x0] =	sbarrier.arrive $0xFFFF  }
0x1d: {  	[tilespmem:s15], [sflag:$0x1] =	stream.indirect.gather [hbm4b:s4+s14], $0x80, s18, s14, $0xb8;
	[tilespmem:$0x1E800] =	vst v63  }
0x1e: {  	_ =	swait.ge [sflag:s16], $0x2800  }
0x1f: {  	[sflag:s16] =	ssyncset.done $0x0  }
0x20: {  	s31 =	simm.s32 $0x4000;
	[sflag:s16] =	ssyncadd.s32 $0xFFFFD800  }
0x21: {  	[spmem:s1] =	stream.indirect.scatter.add.f32 [tilespmem:s15], [sflag:$0x2], $0x80, s31, s14, $0xb8;
	[tilespmem:$0x1E800] =	vst v63  }
0x22: {  	_ =	swait.ge [sflag:s10], $0x2800  }
0x23: {  	s19 =	simm.s32 $0x400;
	s18 =	simm.s32 $0x200;
	[sflag:s10] =	ssyncset.done $0x0  }
.LBB2_2:
0x24: {  	s20 =	sshra.s32 s18, $0x2  }
0x25: {  	[sflag:s10] =	ssyncadd.s32 $0xFFFFD800;
	s18 =	smov.u32 s19;
	s21 =	sadd.s32 $0x200, s19  }
0x26: {  	[tilespmem:s15], [sflag:$0x1] =	stream.indirect.gather [hbm4b:s4+s14], $0x80, s20, s14, $0xb8;
	[tilespmem:$0x1E800] =	vst v63  }
0x27: {  	p0 =	sne.s32 s19, $0xF800;
	_ =	swait.ge [sflag:s16], $0x2800  }
.Ltmp0:
0x28: {  	[sflag:s16] =	ssyncset.done $0x0;
	(pc) =	sbr.rel @p0 .LBB2_2-.Ltmp0, $4  }
0x29: {  	s19 =	sadd.s32 $0x4000, s20;
	[sflag:s16] =	ssyncadd.s32 $0xFFFFD800  }
0x2a: {  	[spmem:s1] =	stream.indirect.scatter.add.f32 [tilespmem:s15], [sflag:$0x2], $0x80, s19, s14, $0xb8;
	[tilespmem:$0x1E800] =	vst v63  }
0x2b: {  	_ =	swait.ge [sflag:s10], $0x2800  }
0x2c: {  	s19 =	smov.u32 s21;
	[sflag:s10] =	ssyncset.done $0x0  }
0x2d: {  	s18 =	sshra.s32 s18, $0x2;
	[sflag:s10] =	ssyncadd.s32 $0xFFFFD800  }
0x2e: {  	[tilespmem:s15], [sflag:$0x1] =	stream.indirect.gather [hbm4b:s4+s14], $0x80, s18, s14, $0xb8;
	[tilespmem:$0x1E800] =	vst v63  }
0x2f: {  	_ =	swait.ge [sflag:s16], $0x2800  }
0x30: {  	[sflag:s16] =	ssyncset.done $0x0  }
0x31: {  	s18 =	sadd.s32 $0x4000, s18;
	[sflag:s16] =	ssyncadd.s32 $0xFFFFD800  }
0x32: {  	[spmem:s1] =	stream.indirect.scatter.add.f32 [tilespmem:s15], [sflag:$0x2], $0x80, s18, s14, $0xb8;
	[tilespmem:$0x1E800] =	vst v63  }
0x33: {  	_ =	swait.ge [sflag:s10], $0x2800  }
0x34: {  	s17 =	sadd.s32 $0x1, s17;
	[sflag:s10] =	ssyncset.done $0x0  }
0x35: {  	p0 =	sne.s32 s17, s9;
	[sflag:s10] =	ssyncadd.s32 $0xFFFFD800  }
.Ltmp1:
0x36: {  	[bflag:$0x0] =	sbarrier.arrive $0xFFFF;
	(pc) =	sbr.rel @p0 .LBB2_1-.Ltmp1, $4  }
0x37: {  	[hbm:s8], [sflag:s12] =	dma.local [spmem:s13], $0x2800  }
0x38: {  	_ =	swait.ge [sflag:s10], $0x2800  }
0x39: {  	[sflag:s10] =	ssyncset.done $0x0  }
0x3a: {  	[sflag:s10] =	ssyncadd.s32 $0xFFFFD800  }
0x3b: {  	_ =	sfence.sel $0x180000  }
0x3c: {  	[bflag:$0x0] =	sbarrier.arrive $0xFFFF  }
0x3d: {  	p0 =	sne.s32 s2, $0x0;
	_ =	strace $0x9000004A  }
0x3e: {  	s0 =	sadd.s32 @!p0 $0x100000, s0;
	[bflag:$0x2] =	sbarrier.arrive $0xFFFF  }
0x3f: {  	[sflag:s0] =	ssyncadd.tile.s32 @!p0 $0x1;
	_ =	shalt  }
.Lfunc_end2:
_tile_overlayer_lowered:
.L_overlay_start_2:
0x40: {  	(tag) =	ssettag $0x2  }
0x41: {  	s0 =	rddreg [dreg:$0x0];
	s2 =	stileid.u32  }
0x42: {  	s1 =	rddreg [dreg:$0x1];
	p0 =	sne.s32 s2, $0x0  }
0x43: {  	s3 =	rddreg [dreg:$0x2];
	[bflag:$0x3] =	sbarrier.arrive $0xFFFF;
	s2 =	simm.s32 @!p0 $0x1C02  }
0x44: {  	[timem:s3], [sflag:s2] =	dma.local @!p0 [hbm:s0], s1  }
0x45: {  	s0 =	simm.s32 @!p0 $0x2  }
0x46: {  	_ =	swait.ge @!p0 [sflag:s0], s1  }
0x47: {  	s1 =	ssub.s32 @!p0 $0x0, s1;
	[sflag:s0] =	ssyncset.done @!p0 $0x0  }
0x48: {  	[sflag:s0] =	ssyncadd.s32 @!p0 s1  }
0x49: {  	[bflag:$0x3] =	sbarrier.arrive $0xFFFF  }
0x4a: {  	_ =	shalt  }

// kernel: kernel.14.cloned.1.call-start
scs
__scs_entry_jumppad:
0x0: {  	(pc) =	sbr.rel $0x88, $3  }
0x1: {  	(tag) =	ssettag $0x0;
	lr =	simm.s32 $0x1  }
0x2: {  	[smem:$0x3F92] =	sst lr;
	_ =	strace $0xD0000000  }
0x3: {  	_ = 	snop  }
0x4: {  	_ = 	snop  }
0x5: {  	_ = 	snop  }
0x6: {  	_ = 	snop  }
0x7: {  	_ = 	snop  }
__scs_overlays_trampoline_lowered:
0x8: {  	[smem:$0x3FA1] =	sst s0  }
0x9: {  	[smem:$0x3FA2] =	sst s1  }
0xa: {  	[smem:$0x3FA3] =	sst s2  }
0xb: {  	[smem:$0x3FA4] =	sst s3  }
0xc: {  	[smem:$0x3FA5] =	sst s4  }
0xd: {  	[smem:$0x3FA6] =	sst s5  }
0xe: {  	[smem:$0x3FA7] =	sst s6  }
0xf: {  	[smem:$0x3FA8] =	sst s7  }
0x10: {  	[smem:$0x3FA9] =	sst s8  }
0x11: {  	[smem:$0x3FAA] =	sst s9;
	s0 =	simm.s32 @!p0 $0x0  }
0x12: {  	s1 =	sld [smem:$0x3F90];
	s0 =	simm.s32 @p0 $0x1  }
0x13: {  	[smem:$0x3FAB] =	sst s0;
	s0 =	simm.s32 @!p1 $0x0  }
0x14: {  	s2 =	sld [smem:$0x3F8F];
	s0 =	simm.s32 @p1 $0x1  }
0x15: {  	[smem:$0x3FAC] =	sst s0;
	s0 =	simm.s32 @!p2 $0x0  }
0x16: {  	s3 =	sld [smem:$0x3FDB];
	s0 =	simm.s32 @p2 $0x1  }
0x17: {  	s4 =	simm.s32 $0x1BF5;
	[smem:$0x3FAE] =	sst s0  }
0x18: {  	s0 =	sld [smem:$0x3F91];
	_ =	swait.ge [sflag:s4], $0x0  }
0x19: {  	s7 =	sld [smem:$0x3F92]  }
0x1a: {  	s8 =	sadd.s32 $0xFFFFE003, lr  }
0x1b: {  	s9 =	sadd.s32 $0xFFFFFEF7, lr;
	s5 =	simm.s32 $0xFFFFFFFF;
	p2 =	slt.u32 s8, $0xFFFFF086  }
0x1c: {  	p1 =	slt.u32 s9, $0xF7A;
	s5 =	simm.s32 @!p2 $0x0  }
0x1d: {  	s5 =	simm.s32 @p1 $0x1;
	p0 =	seq.s32 s7, s2  }
0x1e: {  	s7 =	smul.u32 @!p0 $0xF7A, s2;
	p2 =	seq.s32 @!p0 s5, $0x0  }
0x1f: {  	s9 =	smul.u32 $0xF7A, s1;
	s8 =	simm.s32 @!p0 $0x1BF5;
	p2 =	por !p2, p0  }
0x20: {  	[sflag:s8] =	ssyncset.s32 @!p0 $0xFFFFF086;
	s6 =	sadd.s32 @!p0 s3, s7;
	s7 =	simm.s32 @!p0 $0x108  }
0x21: {  	s3 =	sadd.s32 s3, s9;
	s6 =	sadd.s32 @!p0 $0x88, s6;
	s7 =	simm.s32 @p2 $0x1082  }
0x22: {  	[simem:s7], [sflag:s8] =	dma.local @!p0 [hbm:s6], $0xF7A  }
0x23: {  	s9 =	sor.u32 $0xD0000000, s2;
	s6 =	simm.s32 $0x108;
	_ =	swait.ge @!p0 [sflag:s8], $0x0  }
0x24: {  	s3 =	sadd.s32 $0x88, s3;
	s6 =	simm.s32 @!p1 $0x1082;
	[sflag:s4] =	ssyncset.s32 $0xFFFFF086  }
0x25: {  	[simem:s6], [sflag:s4] =	dma.local [hbm:s3], $0xF7A  }
0x26: {  	[smem:$0x3F92] =	sst s1;
	(tag) =	ssettag s2;
	_ =	strace s9  }
0x27: {  	s1 =	sld [smem:$0x3FA2]  }
0x28: {  	s2 =	sld [smem:$0x3FA3]  }
0x29: {  	s4 =	sld [smem:$0x3FA5]  }
0x2a: {  	p0 =	seq.s32 s5, $0x0;
	s5 =	sld [smem:$0x3FA6]  }
0x2b: {  	s6 =	sld [smem:$0x3FA7]  }
0x2c: {  	s7 =	sld [smem:$0x3FA8]  }
0x2d: {  	s3 =	simm.s32 $0x108;
	s8 =	sld [smem:$0x3FA9]  }
0x2e: {  	s3 =	simm.s32 @!p0 $0x1082;
	s9 =	sld [smem:$0x3FAA]  }
0x2f: {  	lr =	sadd.s32 s0, s3;
	s0 =	sld [smem:$0x3FA1]  }
0x30: {  	s3 =	sld [smem:$0x3FA4]  }
0x31: {  	[smem:$0x3FAD] =	sst s10  }
0x32: {  	s10 =	sld [smem:$0x3FAB];
	_ =	sdelay $0x3  }
0x33: {  	p0 =	seq.s32 s10, $0x1;
	s10 =	sld [smem:$0x3FAD];
	_ =	sdelay $0x3  }
0x34: {  	[smem:$0x3FAD] =	sst s10  }
0x35: {  	s10 =	sld [smem:$0x3FAC];
	_ =	sdelay $0x3  }
0x36: {  	p1 =	seq.s32 s10, $0x1;
	s10 =	sld [smem:$0x3FAD];
	_ =	sdelay $0x3  }
0x37: {  	[smem:$0x3FAD] =	sst s10  }
0x38: {  	s10 =	sld [smem:$0x3FAE]  }
0x39: {  	_ = 	snop;
	(pc) =	sbr.ind lr, $3  }
0x3a: {  	_ = 	snop  }
0x3b: {  	_ = 	snop  }
0x3c: {  	p2 =	seq.s32 s10, $0x1;
	s10 =	sld [smem:$0x3FAD]  }
0x3d: {  	_ =	shalt  }
0x3e: {  	_ =	shalt  }
0x3f: {  	_ =	shalt  }
0x40: {  	_ =	shalt  }
0x41: {  	_ =	shalt  }
0x42: {  	_ =	shalt  }
0x43: {  	_ =	shalt  }
0x44: {  	_ =	shalt  }
0x45: {  	_ =	shalt  }
0x46: {  	_ =	shalt  }
0x47: {  	_ =	shalt  }
0x48: {  	_ =	shalt  }
0x49: {  	_ =	shalt  }
0x4a: {  	_ =	shalt  }
0x4b: {  	_ =	shalt  }
0x4c: {  	_ =	shalt  }
0x4d: {  	_ =	shalt  }
0x4e: {  	_ =	shalt  }
0x4f: {  	_ =	shalt  }
0x50: {  	_ =	shalt  }
0x51: {  	_ =	shalt  }
0x52: {  	_ =	shalt  }
0x53: {  	_ =	shalt  }
0x54: {  	_ =	shalt  }
0x55: {  	_ =	shalt  }
0x56: {  	_ =	shalt  }
0x57: {  	_ =	shalt  }
0x58: {  	_ =	shalt  }
0x59: {  	_ =	shalt  }
0x5a: {  	_ =	shalt  }
0x5b: {  	_ =	shalt  }
0x5c: {  	_ =	shalt  }
0x5d: {  	_ =	shalt  }
0x5e: {  	_ =	shalt  }
0x5f: {  	_ =	shalt  }
0x60: {  	_ =	shalt  }
0x61: {  	_ =	shalt  }
0x62: {  	_ =	shalt  }
0x63: {  	_ =	shalt  }
0x64: {  	_ =	shalt  }
0x65: {  	_ =	shalt  }
0x66: {  	_ =	shalt  }
0x67: {  	_ =	shalt  }
0x68: {  	_ =	shalt  }
0x69: {  	_ =	shalt  }
0x6a: {  	_ =	shalt  }
0x6b: {  	_ =	shalt  }
0x6c: {  	_ =	shalt  }
0x6d: {  	_ =	shalt  }
0x6e: {  	_ =	shalt  }
0x6f: {  	_ =	shalt  }
0x70: {  	_ =	shalt  }
0x71: {  	_ =	shalt  }
0x72: {  	_ =	shalt  }
0x73: {  	_ =	shalt  }
0x74: {  	_ =	shalt  }
0x75: {  	_ =	shalt  }
0x76: {  	_ =	shalt  }
0x77: {  	_ =	shalt  }
0x78: {  	_ =	shalt  }
0x79: {  	_ =	shalt  }
0x7a: {  	_ =	shalt  }
0x7b: {  	_ =	shalt  }
0x7c: {  	_ =	shalt  }
0x7d: {  	_ =	shalt  }
0x7e: {  	_ =	shalt  }
0x7f: {  	_ =	shalt  }
0x80: {  	_ =	shalt  }
0x81: {  	_ =	shalt  }
0x82: {  	_ =	shalt  }
0x83: {  	_ =	shalt  }
0x84: {  	_ =	shalt  }
0x85: {  	_ =	shalt  }
0x86: {  	_ =	shalt  }
0x87: {  	_ =	shalt  }
.Lfunc_end0:
.L_simem_size_0:
called_computation.2_lowered:
.L_overlay_start_0:
0x88: {  	s2 =	sld [smem:$0x3FD9]  }
0x89: {  	s3 =	sld [smem:$0x3FFE];
	_ =	sdelay $0x1  }
0x8a: {  	s1 =	srdreg.scid  }
0x8b: {  	s0 =	sand.u32 $0x1, s1  }
0x8c: {  	s16 =	sshll.u32 s0, $0xA;
	s2 =	sadd.s32 s3, s2  }
0x8d: {  	s2 =	sadd.s32 s2, s16  }
0x8e: {  	[smem:$0x3FB9] =	sst s2  }
0x8f: {  	_ = 	snop  }
0x90: {  	(tm) =	ssettm $0x1  }
0x91: {  	s17 =	sld [smem:$0x3FFB];
	_ =	sdelay $0x3  }
0x92: {  	_ =	strace s17  }
0x93: {  	s2 =	sld [smem:$0x3FFC];
	_ =	sdelay $0x3  }
0x94: {  	_ =	strace s2  }
0x95: {  	s2 =	sld [smem:$0x3FFD];
	_ =	sdelay $0x3  }
0x96: {  	_ =	strace s2  }
0x97: {  	_ =	strace $0x8FFFFFFF  }
0x98: {  	s18 =	sld [smem:$0x3FDB];
	_ =	sdelay $0x1  }
0x99: {  	s19 =	simm.s32 $_scs_section_size  }
0x9a: {  	s4 =	simm.s32 $_size__tile_overlayer_lowered;
	s5 =	simm.s32 $_tile_overlayer_lowered  }
0x9b: {  	s22 =	simm.s32 $0x1BFF;
	s21 =	sshll.u32 s5, $0x1;
	s2 =	sadd.s32 s19, s18  }
0x9c: {  	s6 =	simm.s32 $0x0;
	s20 =	sshll.u32 s4, $0x1;
	s4 =	sadd.s32 s21, s2  }
0x9d: {  	[timem:s6], [sflag:s22] =	dma.local [hbm:s4], s20  }
0x9e: {  	_ =	swait.ge [sflag:s22], s20  }
0x9f: {  	s3 =	ssub.s32 $0x0, s20;
	[sflag:s22] =	ssyncset.done $0x0  }
0xa0: {  	[sflag:s22] =	ssyncadd.s32 s3;
	_ =	sdelay $0x1  }
0xa1: {  	s23 =	simm.s32 $0x1B8B  }
0xa2: {  	_ =	swait.ge [sflag:s23], $0x1  }
0xa3: {  	[sflag:s23] =	ssyncset.done $0x0  }
0xa4: {  	s25 =	simm.s32 $0x1B8E;
	s24 =	sld [smem:$0x3FFE];
	[sflag:s23] =	ssyncadd.s32 $0xFFFFFFFF  }
0xa5: {  	s26 =	simm.s32 $execute0_lowered;
	[smem:$0x3FD2] =	sst s25  }
0xa6: {  	s4 =	sshll.u32 s26, $0x1;
	_ =	strace $0x8000004C;
	[dreg:$0x1] =	wrdreg $0xFFFFFFFF  }
0xa7: {  	s28 =	simm.s32 $_size_execute0_lowered;
	s2 =	sadd.s32 s2, s4;
	[dreg:$0x0] =	wrdreg $0x0  }
0xa8: {  	s4 =	sshll.u32 s28, $0x1;
	[dreg:$0x2] =	wrdreg s2  }
0xa9: {  	[dreg:$0x3] =	wrdreg s4  }
0xaa: {  	[dreg:$0x4] =	wrdreg $0xC0  }
0xab: {  	_ =	task [dreg:s6], $0x5FFFF  }
0xac: {  	[dreg:$0x1] =	wrdreg $0xFFFFFFFF  }
0xad: {  	[dreg:$0x0] =	wrdreg $0x60  }
0xae: {  	[dreg:$0x2] =	wrdreg s24  }
0xaf: {  	[dreg:$0x3] =	wrdreg $0xA8000  }
0xb0: {  	[dreg:$0x4] =	wrdreg $0x9  }
0xb1: {  	_ =	task.clear_ibuf [dreg:s6], $0x5FFFF;
	_ =	strace $0x9000004C  }
0xb2: {  	s29 =	simm.s32 $0x9;
	_ =	strace $0x8000004E  }
0xb3: {  	_ =	swait.ge [sflag:s29], $0x1  }
0xb4: {  	[sflag:s29] =	ssyncadd.s32 $0xFFFFFFFF  }
0xb5: {  	_ =	strace $0x9000004E  }
0xb6: {  	_ =	sfence  }
0xb7: {  	s30 =	sld [smem:$0x0];
	_ =	sdelay $0x2  }
0xb8: {  	s31 =	sshll.u32 s1, $0xD;
	s1 =	sshrl.u32 s1, $0x2  }
0xb9: {  	s3 =	sand.u32 $0x4000, s31;
	s1 =	sadd.s32 s1, s30  }
0xba: {  	s0 =	sor.u32 s3, s0;
	s1 =	sshll.u32 s1, $0x11  }
0xbb: {  	s0 =	sor.u32 s1, s0  }
0xbc: {  	s0 =	sadd.s32 $0x8F2B, s0  }
0xbd: {  	[sflag:s0] =	ssyncadd.remote.s32 $0x1  }
0xbe: {  	_ =	sfence.sel $0xFFFF  }
0xbf: {  	[dreg:$0x0] =	wrdreg $0xFFFFFFFF;
	(pc) =	sbr.abs _section_cstart, $3  }
0xc0: {  	[dreg:$0x1] =	wrdreg $0xFFFFFFFF  }
0xc1: {  	_ =	task.clear_ibuf [dreg:s6], $0x2FFFF;
	_ =	strace $0x9FFFFFFF  }
0xc2: {  	(tm) =	ssettm $0x7FFFFFFF  }
0xc3: {  	_ =	shalt  }
tec
execute0_lowered:
.L_overlay_start_1:
0x0: {  	(tag) =	ssettag $0x1  }
0x1: {  	s5 =	rddreg [dreg:$0x0]  }
0x2: {  	s1 =	rddreg [dreg:$0x1]  }
0x3: {  	s0 =	rddreg [dreg:$0x2];
	s3 =	simm.s32 $0x0;
	s4 =	srdreg.scid  }
0x4: {  	s2 =	stileid.u32;
	s14 =	simm.s32 $0x50;
	s15 =	simm.s32 $0x8000  }
0x5: {  	s16 =	simm.s32 $0x1;
	s17 =	simm.s32 $0x0;
	[smem:$0x7FF] =	sst s3  }
0x6: {  	s6 =	sand.u32 $0x1, s4;
	s30 =	sshll.u32 s2, $0xC;
	s8 =	smul.u32 $0x14000, s2  }
0x7: {  	s4 =	sadd.s32 $0x4B800, s5;
	s31 =	smul.u32 $0x50000, s2;
	s12 =	sshll.u32 s2, $0x6  }
0x8: {  	s7 =	sshll.u32 s6, $0xB;
	_ =	strace $0x8000004D;
	s9 =	smul.u32 $0x140000, s6  }
0x9: {  	s6 =	ssub.s32 $0x2, s6;
	s12 =	sor.u32 $0x1C02, s12;
	s7 =	sor.u32 s7, s30  }
0xa: {  	s10 =	sshrl.u32 s8, $0x3;
	s11 =	sshrl.u32 s6, $0x1;
	s7 =	sadd.s32 s7, s5  }
0xb: {  	s8 =	sadd.s32 s8, s9;
	s10 =	sadd.s32 s10, s5;
	s11 =	ssub.s32 s6, s11  }
0xc: {  	s9 =	sshrl.u32 s31, $0x2;
	s8 =	sshrl.u32 s8, $0x3;
	s6 =	sadd.s32 $0x13800, s7  }
0xd: {  	s13 =	sadd.s32 s9, s1;
	s9 =	smax.u32 s11, $0x1;
	s11 =	simm.s32 $0x4000  }
0xe: {  	s8 =	sadd.s32 s8, s5;
	s5 =	sadd.s32 $0x3800, s7;
	s7 =	sadd.s32 $0x23800, s10  }
0xf: {  	s10 =	simm.s32 $0x2;
	s13 =	sshrl.u32 s13, $0x3;
	s8 =	sadd.s32 $0x72A00, s8  }
.LBB2_1:
0x10: {  	[tilespmem:s3], [sflag:$0x2] =	stream.linear.gather [hbm4b:s5+s3], $0x3E80, $0x38;
	[tilespmem:$0x1E800] =	vst v63  }
0x11: {  	_ =	swait.ge [sflag:s10], $0x3E80  }
0x12: {  	[sflag:s10] =	ssyncset.done $0x0  }
0x13: {  	[sflag:s10] =	ssyncadd.s32 $0xFFFFC180  }
0x14: {  	[tilespmem:s11], [sflag:$0x2] =	stream.linear.gather [hbm4b:s6+s3], $0x3E80, $0x38;
	[tilespmem:$0x1E800] =	vst v63  }
0x15: {  	_ =	swait.ge [sflag:s10], $0x3E80  }
0x16: {  	[sflag:s10] =	ssyncset.done $0x0  }
0x17: {  	[sflag:s10] =	ssyncadd.s32 $0xFFFFC180  }
0x18: {  	[spmem:s13], [sflag:s12] =	dma.local [hbm:s7], $0x2800  }
0x19: {  	_ =	swait.ge [sflag:s10], $0x2800  }
0x1a: {  	[sflag:s10] =	ssyncset.done $0x0  }
0x1b: {  	[sflag:s10] =	ssyncadd.s32 $0xFFFFD800  }
0x1c: {  	s18 =	simm.s32 $0x0;
	[bflag:$0x0] =	sbarrier.arrive $0xFFFF  }
0x1d: {  	[tilespmem:s15], [sflag:$0x1] =	stream.indirect.gather [hbm4b:s4+s14], $0x80, s18, s14, $0xb8;
	[tilespmem:$0x1E800] =	vst v63  }
0x1e: {  	_ =	swait.ge [sflag:s16], $0x2800  }
0x1f: {  	[sflag:s16] =	ssyncset.done $0x0  }
0x20: {  	s31 =	simm.s32 $0x4000;
	[sflag:s16] =	ssyncadd.s32 $0xFFFFD800  }
0x21: {  	[spmem:s1] =	stream.indirect.scatter.add.f32 [tilespmem:s15], [sflag:$0x2], $0x80, s31, s14, $0xb8;
	[tilespmem:$0x1E800] =	vst v63  }
0x22: {  	_ =	swait.ge [sflag:s10], $0x2800  }
0x23: {  	s19 =	simm.s32 $0x400;
	s18 =	simm.s32 $0x200;
	[sflag:s10] =	ssyncset.done $0x0  }
.LBB2_2:
0x24: {  	s20 =	sshra.s32 s18, $0x2  }
0x25: {  	[sflag:s10] =	ssyncadd.s32 $0xFFFFD800;
	s18 =	smov.u32 s19;
	s21 =	sadd.s32 $0x200, s19  }
0x26: {  	[tilespmem:s15], [sflag:$0x1] =	stream.indirect.gather [hbm4b:s4+s14], $0x80, s20, s14, $0xb8;
	[tilespmem:$0x1E800] =	vst v63  }
0x27: {  	p0 =	sne.s32 s19, $0xF800;
	_ =	swait.ge [sflag:s16], $0x2800  }
.Ltmp0:
0x28: {  	[sflag:s16] =	ssyncset.done $0x0;
	(pc) =	sbr.rel @p0 .LBB2_2-.Ltmp0, $4  }
0x29: {  	s19 =	sadd.s32 $0x4000, s20;
	[sflag:s16] =	ssyncadd.s32 $0xFFFFD800  }
0x2a: {  	[spmem:s1] =	stream.indirect.scatter.add.f32 [tilespmem:s15], [sflag:$0x2], $0x80, s19, s14, $0xb8;
	[tilespmem:$0x1E800] =	vst v63  }
0x2b: {  	_ =	swait.ge [sflag:s10], $0x2800  }
0x2c: {  	s19 =	smov.u32 s21;
	[sflag:s10] =	ssyncset.done $0x0  }
0x2d: {  	s18 =	sshra.s32 s18, $0x2;
	[sflag:s10] =	ssyncadd.s32 $0xFFFFD800  }
0x2e: {  	[tilespmem:s15], [sflag:$0x1] =	stream.indirect.gather [hbm4b:s4+s14], $0x80, s18, s14, $0xb8;
	[tilespmem:$0x1E800] =	vst v63  }
0x2f: {  	_ =	swait.ge [sflag:s16], $0x2800  }
0x30: {  	[sflag:s16] =	ssyncset.done $0x0  }
0x31: {  	s18 =	sadd.s32 $0x4000, s18;
	[sflag:s16] =	ssyncadd.s32 $0xFFFFD800  }
0x32: {  	[spmem:s1] =	stream.indirect.scatter.add.f32 [tilespmem:s15], [sflag:$0x2], $0x80, s18, s14, $0xb8;
	[tilespmem:$0x1E800] =	vst v63  }
0x33: {  	_ =	swait.ge [sflag:s10], $0x2800  }
0x34: {  	s17 =	sadd.s32 $0x1, s17;
	[sflag:s10] =	ssyncset.done $0x0  }
0x35: {  	p0 =	sne.s32 s17, s9;
	[sflag:s10] =	ssyncadd.s32 $0xFFFFD800  }
.Ltmp1:
0x36: {  	[bflag:$0x0] =	sbarrier.arrive $0xFFFF;
	(pc) =	sbr.rel @p0 .LBB2_1-.Ltmp1, $4  }
0x37: {  	[hbm:s8], [sflag:s12] =	dma.local [spmem:s13], $0x2800  }
0x38: {  	_ =	swait.ge [sflag:s10], $0x2800  }
0x39: {  	[sflag:s10] =	ssyncset.done $0x0  }
0x3a: {  	[sflag:s10] =	ssyncadd.s32 $0xFFFFD800  }
0x3b: {  	_ =	sfence.sel $0x180000  }
0x3c: {  	[bflag:$0x0] =	sbarrier.arrive $0xFFFF  }
0x3d: {  	p0 =	sne.s32 s2, $0x0;
	_ =	strace $0x9000004D  }
0x3e: {  	s0 =	sadd.s32 @!p0 $0x100000, s0;
	[bflag:$0x2] =	sbarrier.arrive $0xFFFF  }
0x3f: {  	[sflag:s0] =	ssyncadd.tile.s32 @!p0 $0x1;
	_ =	shalt  }
.Lfunc_end2:
_tile_overlayer_lowered:
.L_overlay_start_2:
0x40: {  	(tag) =	ssettag $0x2  }
0x41: {  	s0 =	rddreg [dreg:$0x0];
	s2 =	stileid.u32  }
0x42: {  	s1 =	rddreg [dreg:$0x1];
	p0 =	sne.s32 s2, $0x0  }
0x43: {  	s3 =	rddreg [dreg:$0x2];
	[bflag:$0x3] =	sbarrier.arrive $0xFFFF;
	s2 =	simm.s32 @!p0 $0x1C02  }
0x44: {  	[timem:s3], [sflag:s2] =	dma.local @!p0 [hbm:s0], s1  }
0x45: {  	s0 =	simm.s32 @!p0 $0x2  }
0x46: {  	_ =	swait.ge @!p0 [sflag:s0], s1  }
0x47: {  	s1 =	ssub.s32 @!p0 $0x0, s1;
	[sflag:s0] =	ssyncset.done @!p0 $0x0  }
0x48: {  	[sflag:s0] =	ssyncadd.s32 @!p0 s1  }
0x49: {  	[bflag:$0x3] =	sbarrier.arrive $0xFFFF  }
0x4a: {  	_ =	shalt  }

// kernel: kernel.8.cloned.1.call-start
scs
__scs_entry_jumppad:
0x0: {  	(pc) =	sbr.rel $0x88, $3  }
0x1: {  	(tag) =	ssettag $0x0;
	lr =	simm.s32 $0x1  }
0x2: {  	[smem:$0x3F92] =	sst lr;
	_ =	strace $0xD0000000  }
0x3: {  	_ = 	snop  }
0x4: {  	_ = 	snop  }
0x5: {  	_ = 	snop  }
0x6: {  	_ = 	snop  }
0x7: {  	_ = 	snop  }
__scs_overlays_trampoline_lowered:
0x8: {  	[smem:$0x3FA1] =	sst s0  }
0x9: {  	[smem:$0x3FA2] =	sst s1  }
0xa: {  	[smem:$0x3FA3] =	sst s2  }
0xb: {  	[smem:$0x3FA4] =	sst s3  }
0xc: {  	[smem:$0x3FA5] =	sst s4  }
0xd: {  	[smem:$0x3FA6] =	sst s5  }
0xe: {  	[smem:$0x3FA7] =	sst s6  }
0xf: {  	[smem:$0x3FA8] =	sst s7  }
0x10: {  	[smem:$0x3FA9] =	sst s8  }
0x11: {  	[smem:$0x3FAA] =	sst s9;
	s0 =	simm.s32 @!p0 $0x0  }
0x12: {  	s1 =	sld [smem:$0x3F90];
	s0 =	simm.s32 @p0 $0x1  }
0x13: {  	[smem:$0x3FAB] =	sst s0;
	s0 =	simm.s32 @!p1 $0x0  }
0x14: {  	s2 =	sld [smem:$0x3F8F];
	s0 =	simm.s32 @p1 $0x1  }
0x15: {  	[smem:$0x3FAC] =	sst s0;
	s0 =	simm.s32 @!p2 $0x0  }
0x16: {  	s3 =	sld [smem:$0x3FDB];
	s0 =	simm.s32 @p2 $0x1  }
0x17: {  	s4 =	simm.s32 $0x1BF5;
	[smem:$0x3FAE] =	sst s0  }
0x18: {  	s0 =	sld [smem:$0x3F91];
	_ =	swait.ge [sflag:s4], $0x0  }
0x19: {  	s7 =	sld [smem:$0x3F92]  }
0x1a: {  	s8 =	sadd.s32 $0xFFFFE003, lr  }
0x1b: {  	s9 =	sadd.s32 $0xFFFFFEF7, lr;
	s5 =	simm.s32 $0xFFFFFFFF;
	p2 =	slt.u32 s8, $0xFFFFF086  }
0x1c: {  	p1 =	slt.u32 s9, $0xF7A;
	s5 =	simm.s32 @!p2 $0x0  }
0x1d: {  	s5 =	simm.s32 @p1 $0x1;
	p0 =	seq.s32 s7, s2  }
0x1e: {  	s7 =	smul.u32 @!p0 $0xF7A, s2;
	p2 =	seq.s32 @!p0 s5, $0x0  }
0x1f: {  	s9 =	smul.u32 $0xF7A, s1;
	s8 =	simm.s32 @!p0 $0x1BF5;
	p2 =	por !p2, p0  }
0x20: {  	[sflag:s8] =	ssyncset.s32 @!p0 $0xFFFFF086;
	s6 =	sadd.s32 @!p0 s3, s7;
	s7 =	simm.s32 @!p0 $0x108  }
0x21: {  	s3 =	sadd.s32 s3, s9;
	s6 =	sadd.s32 @!p0 $0x88, s6;
	s7 =	simm.s32 @p2 $0x1082  }
0x22: {  	[simem:s7], [sflag:s8] =	dma.local @!p0 [hbm:s6], $0xF7A  }
0x23: {  	s9 =	sor.u32 $0xD0000000, s2;
	s6 =	simm.s32 $0x108;
	_ =	swait.ge @!p0 [sflag:s8], $0x0  }
0x24: {  	s3 =	sadd.s32 $0x88, s3;
	s6 =	simm.s32 @!p1 $0x1082;
	[sflag:s4] =	ssyncset.s32 $0xFFFFF086  }
0x25: {  	[simem:s6], [sflag:s4] =	dma.local [hbm:s3], $0xF7A  }
0x26: {  	[smem:$0x3F92] =	sst s1;
	(tag) =	ssettag s2;
	_ =	strace s9  }
0x27: {  	s1 =	sld [smem:$0x3FA2]  }
0x28: {  	s2 =	sld [smem:$0x3FA3]  }
0x29: {  	s4 =	sld [smem:$0x3FA5]  }
0x2a: {  	p0 =	seq.s32 s5, $0x0;
	s5 =	sld [smem:$0x3FA6]  }
0x2b: {  	s6 =	sld [smem:$0x3FA7]  }
0x2c: {  	s7 =	sld [smem:$0x3FA8]  }
0x2d: {  	s3 =	simm.s32 $0x108;
	s8 =	sld [smem:$0x3FA9]  }
0x2e: {  	s3 =	simm.s32 @!p0 $0x1082;
	s9 =	sld [smem:$0x3FAA]  }
0x2f: {  	lr =	sadd.s32 s0, s3;
	s0 =	sld [smem:$0x3FA1]  }
0x30: {  	s3 =	sld [smem:$0x3FA4]  }
0x31: {  	[smem:$0x3FAD] =	sst s10  }
0x32: {  	s10 =	sld [smem:$0x3FAB];
	_ =	sdelay $0x3  }
0x33: {  	p0 =	seq.s32 s10, $0x1;
	s10 =	sld [smem:$0x3FAD];
	_ =	sdelay $0x3  }
0x34: {  	[smem:$0x3FAD] =	sst s10  }
0x35: {  	s10 =	sld [smem:$0x3FAC];
	_ =	sdelay $0x3  }
0x36: {  	p1 =	seq.s32 s10, $0x1;
	s10 =	sld [smem:$0x3FAD];
	_ =	sdelay $0x3  }
0x37: {  	[smem:$0x3FAD] =	sst s10  }
0x38: {  	s10 =	sld [smem:$0x3FAE]  }
0x39: {  	_ = 	snop;
	(pc) =	sbr.ind lr, $3  }
0x3a: {  	_ = 	snop  }
0x3b: {  	_ = 	snop  }
0x3c: {  	p2 =	seq.s32 s10, $0x1;
	s10 =	sld [smem:$0x3FAD]  }
0x3d: {  	_ =	shalt  }
0x3e: {  	_ =	shalt  }
0x3f: {  	_ =	shalt  }
0x40: {  	_ =	shalt  }
0x41: {  	_ =	shalt  }
0x42: {  	_ =	shalt  }
0x43: {  	_ =	shalt  }
0x44: {  	_ =	shalt  }
0x45: {  	_ =	shalt  }
0x46: {  	_ =	shalt  }
0x47: {  	_ =	shalt  }
0x48: {  	_ =	shalt  }
0x49: {  	_ =	shalt  }
0x4a: {  	_ =	shalt  }
0x4b: {  	_ =	shalt  }
0x4c: {  	_ =	shalt  }
0x4d: {  	_ =	shalt  }
0x4e: {  	_ =	shalt  }
0x4f: {  	_ =	shalt  }
0x50: {  	_ =	shalt  }
0x51: {  	_ =	shalt  }
0x52: {  	_ =	shalt  }
0x53: {  	_ =	shalt  }
0x54: {  	_ =	shalt  }
0x55: {  	_ =	shalt  }
0x56: {  	_ =	shalt  }
0x57: {  	_ =	shalt  }
0x58: {  	_ =	shalt  }
0x59: {  	_ =	shalt  }
0x5a: {  	_ =	shalt  }
0x5b: {  	_ =	shalt  }
0x5c: {  	_ =	shalt  }
0x5d: {  	_ =	shalt  }
0x5e: {  	_ =	shalt  }
0x5f: {  	_ =	shalt  }
0x60: {  	_ =	shalt  }
0x61: {  	_ =	shalt  }
0x62: {  	_ =	shalt  }
0x63: {  	_ =	shalt  }
0x64: {  	_ =	shalt  }
0x65: {  	_ =	shalt  }
0x66: {  	_ =	shalt  }
0x67: {  	_ =	shalt  }
0x68: {  	_ =	shalt  }
0x69: {  	_ =	shalt  }
0x6a: {  	_ =	shalt  }
0x6b: {  	_ =	shalt  }
0x6c: {  	_ =	shalt  }
0x6d: {  	_ =	shalt  }
0x6e: {  	_ =	shalt  }
0x6f: {  	_ =	shalt  }
0x70: {  	_ =	shalt  }
0x71: {  	_ =	shalt  }
0x72: {  	_ =	shalt  }
0x73: {  	_ =	shalt  }
0x74: {  	_ =	shalt  }
0x75: {  	_ =	shalt  }
0x76: {  	_ =	shalt  }
0x77: {  	_ =	shalt  }
0x78: {  	_ =	shalt  }
0x79: {  	_ =	shalt  }
0x7a: {  	_ =	shalt  }
0x7b: {  	_ =	shalt  }
0x7c: {  	_ =	shalt  }
0x7d: {  	_ =	shalt  }
0x7e: {  	_ =	shalt  }
0x7f: {  	_ =	shalt  }
0x80: {  	_ =	shalt  }
0x81: {  	_ =	shalt  }
0x82: {  	_ =	shalt  }
0x83: {  	_ =	shalt  }
0x84: {  	_ =	shalt  }
0x85: {  	_ =	shalt  }
0x86: {  	_ =	shalt  }
0x87: {  	_ =	shalt  }
.Lfunc_end0:
.L_simem_size_0:
called_computation_lowered:
.L_overlay_start_0:
0x88: {  	s2 =	sld [smem:$0x3FD9]  }
0x89: {  	s3 =	sld [smem:$0x3FFE];
	_ =	sdelay $0x1  }
0x8a: {  	s1 =	srdreg.scid  }
0x8b: {  	s0 =	sand.u32 $0x1, s1  }
0x8c: {  	s17 =	sshll.u32 s0, $0xA;
	s2 =	sadd.s32 s3, s2  }
0x8d: {  	s2 =	sadd.s32 s2, s17  }
0x8e: {  	[smem:$0x3FB9] =	sst s2  }
0x8f: {  	_ = 	snop  }
0x90: {  	s2 =	sld [smem:$0x3FC9];
	(tm) =	ssettm $0x1  }
0x91: {  	s18 =	sld [smem:$0x3FFB];
	_ =	sdelay $0x3  }
0x92: {  	_ =	strace s18  }
0x93: {  	s3 =	sld [smem:$0x3FFC];
	_ =	sdelay $0x3  }
0x94: {  	_ =	strace s3  }
0x95: {  	s3 =	sld [smem:$0x3FFD];
	_ =	sdelay $0x3  }
0x96: {  	_ =	strace s3  }
0x97: {  	_ =	strace $0x8FFFFFFF  }
0x98: {  	s19 =	sld [smem:$0x3FDB];
	_ =	sdelay $0x1  }
0x99: {  	s4 =	simm.s32 $_scs_section_size  }
0x9a: {  	s5 =	simm.s32 $_size__tile_overlayer_lowered;
	s6 =	simm.s32 $_tile_overlayer_lowered  }
0x9b: {  	s22 =	simm.s32 $0x1BFF;
	s21 =	sshll.u32 s6, $0x1;
	s3 =	sadd.s32 s4, s19  }
0x9c: {  	s7 =	simm.s32 $0x0;
	s20 =	sshll.u32 s5, $0x1;
	s5 =	sadd.s32 s21, s3  }
0x9d: {  	[timem:s7], [sflag:s22] =	dma.local [hbm:s5], s20  }
0x9e: {  	_ =	swait.ge [sflag:s22], s20  }
0x9f: {  	s4 =	ssub.s32 $0x0, s20;
	[sflag:s22] =	ssyncset.done $0x0  }
0xa0: {  	[sflag:s22] =	ssyncadd.s32 s4;
	_ =	sdelay $0x1  }
0xa1: {  	s23 =	simm.s32 $0x1B8B  }
0xa2: {  	_ =	swait.ge [sflag:s23], $0x1  }
0xa3: {  	[sflag:s23] =	ssyncset.done $0x0  }
0xa4: {  	s25 =	simm.s32 $0x1B8E;
	s24 =	sld [smem:$0x3FFE];
	[sflag:s23] =	ssyncadd.s32 $0xFFFFFFFF  }
0xa5: {  	s26 =	simm.s32 $execute0_lowered;
	[smem:$0x3FD2] =	sst s25  }
0xa6: {  	s5 =	sshll.u32 s26, $0x1;
	_ =	strace $0x80000046;
	[dreg:$0x1] =	wrdreg $0xFFFFFFFF  }
0xa7: {  	s28 =	simm.s32 $_size_execute0_lowered;
	s3 =	sadd.s32 s3, s5;
	[dreg:$0x0] =	wrdreg $0x0  }
0xa8: {  	s5 =	sshll.u32 s28, $0x1;
	[dreg:$0x2] =	wrdreg s3  }
0xa9: {  	[dreg:$0x3] =	wrdreg s5  }
0xaa: {  	[dreg:$0x4] =	wrdreg $0xC0  }
0xab: {  	_ =	task [dreg:s7], $0x5FFFF  }
0xac: {  	[dreg:$0x1] =	wrdreg $0xFFFFFFFF  }
0xad: {  	[dreg:$0x0] =	wrdreg $0x60  }
0xae: {  	[dreg:$0x2] =	wrdreg s2  }
0xaf: {  	[dreg:$0x3] =	wrdreg s24  }
0xb0: {  	[dreg:$0x4] =	wrdreg $0xA8000  }
0xb1: {  	[dreg:$0x5] =	wrdreg $0x9  }
0xb2: {  	_ =	task.clear_ibuf [dreg:s7], $0x6FFFF;
	_ =	strace $0x90000046  }
0xb3: {  	s29 =	simm.s32 $0x9;
	_ =	strace $0x80000048  }
0xb4: {  	_ =	swait.ge [sflag:s29], $0x1  }
0xb5: {  	[sflag:s29] =	ssyncadd.s32 $0xFFFFFFFF  }
0xb6: {  	_ =	strace $0x90000048  }
0xb7: {  	_ =	sfence  }
0xb8: {  	s30 =	sld [smem:$0x0];
	_ =	sdelay $0x2  }
0xb9: {  	s31 =	sshll.u32 s1, $0xD;
	s1 =	sshrl.u32 s1, $0x2  }
0xba: {  	s3 =	sand.u32 $0x4000, s31;
	s1 =	sadd.s32 s1, s30  }
0xbb: {  	s0 =	sor.u32 s3, s0;
	s1 =	sshll.u32 s1, $0x11  }
0xbc: {  	s0 =	sor.u32 s1, s0  }
0xbd: {  	s0 =	sadd.s32 $0x8F2B, s0  }
0xbe: {  	[sflag:s0] =	ssyncadd.remote.s32 $0x1  }
0xbf: {  	_ =	sfence.sel $0xFFFF  }
0xc0: {  	[dreg:$0x0] =	wrdreg $0xFFFFFFFF;
	(pc) =	sbr.abs _section_cstart, $3  }
0xc1: {  	[dreg:$0x1] =	wrdreg $0xFFFFFFFF  }
0xc2: {  	_ =	task.clear_ibuf [dreg:s7], $0x2FFFF;
	_ =	strace $0x9FFFFFFF  }
0xc3: {  	(tm) =	ssettm $0x7FFFFFFF  }
tec
execute0_lowered:
.L_overlay_start_1:
0x0: {  	(tag) =	ssettag $0x1  }
0x1: {  	s1 =	rddreg [dreg:$0x0]  }
0x2: {  	s5 =	rddreg [dreg:$0x1]  }
0x3: {  	s3 =	rddreg [dreg:$0x2]  }
0x4: {  	s0 =	rddreg [dreg:$0x3];
	s6 =	srdreg.scid  }
0x5: {  	s4 =	simm.s32 $0x0;
	s2 =	stileid.u32;
	s14 =	simm.s32 $0x50  }
0x6: {  	s15 =	simm.s32 $0x8000;
	s16 =	simm.s32 $0x1;
	s17 =	simm.s32 $0x0  }
0x7: {  	s6 =	sand.u32 $0x1, s6;
	s7 =	sshll.u32 s2, $0xC;
	s9 =	smul.u32 $0x14000, s2  }
0x8: {  	[smem:$0x7FF] =	sst s4;
	s31 =	smul.u32 $0x50000, s2;
	s12 =	sshll.u32 s2, $0x6  }
0x9: {  	s8 =	sshll.u32 s6, $0xB;
	s30 =	smul.u32 $0x140000, s6;
	_ =	strace $0x80000047  }
0xa: {  	s6 =	ssub.s32 $0x2, s6;
	s12 =	sor.u32 $0x1C02, s12;
	s7 =	sor.u32 s8, s7  }
0xb: {  	s10 =	sshrl.u32 s9, $0x3;
	s11 =	sshrl.u32 s6, $0x1;
	s7 =	sadd.s32 s7, s5  }
0xc: {  	s8 =	sadd.s32 s9, s30;
	s10 =	sadd.s32 s10, s5;
	s11 =	ssub.s32 s6, s11  }
0xd: {  	s9 =	sshrl.u32 s31, $0x2;
	s8 =	sshrl.u32 s8, $0x3;
	s6 =	sadd.s32 $0x13800, s7  }
0xe: {  	s13 =	sadd.s32 s9, s3;
	s9 =	smax.u32 s11, $0x1;
	s11 =	simm.s32 $0x4000  }
0xf: {  	s8 =	sadd.s32 s8, s5;
	s5 =	sadd.s32 $0x3800, s7;
	s7 =	sadd.s32 $0x23800, s10  }
0x10: {  	s10 =	simm.s32 $0x2;
	s13 =	sshrl.u32 s13, $0x3;
	s8 =	sadd.s32 $0x4B800, s8  }
.LBB2_1:
0x11: {  	[tilespmem:s4], [sflag:$0x2] =	stream.linear.gather [hbm4b:s5+s4], $0x3E80, $0x38;
	[tilespmem:$0x1E800] =	vst v63  }
0x12: {  	_ =	swait.ge [sflag:s10], $0x3E80  }
0x13: {  	[sflag:s10] =	ssyncset.done $0x0  }
0x14: {  	[sflag:s10] =	ssyncadd.s32 $0xFFFFC180  }
0x15: {  	[tilespmem:s11], [sflag:$0x2] =	stream.linear.gather [hbm4b:s6+s4], $0x3E80, $0x38;
	[tilespmem:$0x1E800] =	vst v63  }
0x16: {  	_ =	swait.ge [sflag:s10], $0x3E80  }
0x17: {  	[sflag:s10] =	ssyncset.done $0x0  }
0x18: {  	[sflag:s10] =	ssyncadd.s32 $0xFFFFC180  }
0x19: {  	[spmem:s13], [sflag:s12] =	dma.local [hbm:s7], $0x2800  }
0x1a: {  	_ =	swait.ge [sflag:s10], $0x2800  }
0x1b: {  	[sflag:s10] =	ssyncset.done $0x0  }
0x1c: {  	[sflag:s10] =	ssyncadd.s32 $0xFFFFD800  }
0x1d: {  	s18 =	simm.s32 $0x0;
	[bflag:$0x0] =	sbarrier.arrive $0xFFFF  }
0x1e: {  	[tilespmem:s15], [sflag:$0x1] =	stream.indirect.gather [hbm4b:s1+s14], $0x80, s18, s14, $0xb8;
	[tilespmem:$0x1E800] =	vst v63  }
0x1f: {  	_ =	swait.ge [sflag:s16], $0x2800  }
0x20: {  	[sflag:s16] =	ssyncset.done $0x0  }
0x21: {  	s31 =	simm.s32 $0x4000;
	[sflag:s16] =	ssyncadd.s32 $0xFFFFD800  }
0x22: {  	[spmem:s3] =	stream.indirect.scatter.add.f32 [tilespmem:s15], [sflag:$0x2], $0x80, s31, s14, $0xb8;
	[tilespmem:$0x1E800] =	vst v63  }
0x23: {  	_ =	swait.ge [sflag:s10], $0x2800  }
0x24: {  	s19 =	simm.s32 $0x400;
	s18 =	simm.s32 $0x200;
	[sflag:s10] =	ssyncset.done $0x0  }
.LBB2_2:
0x25: {  	s20 =	sshra.s32 s18, $0x2  }
0x26: {  	[sflag:s10] =	ssyncadd.s32 $0xFFFFD800;
	s18 =	smov.u32 s19;
	s21 =	sadd.s32 $0x200, s19  }
0x27: {  	[tilespmem:s15], [sflag:$0x1] =	stream.indirect.gather [hbm4b:s1+s14], $0x80, s20, s14, $0xb8;
	[tilespmem:$0x1E800] =	vst v63  }
0x28: {  	p0 =	sne.s32 s19, $0xF800;
	_ =	swait.ge [sflag:s16], $0x2800  }
.Ltmp0:
0x29: {  	[sflag:s16] =	ssyncset.done $0x0;
	(pc) =	sbr.rel @p0 .LBB2_2-.Ltmp0, $4  }
0x2a: {  	s19 =	sadd.s32 $0x4000, s20;
	[sflag:s16] =	ssyncadd.s32 $0xFFFFD800  }
0x2b: {  	[spmem:s3] =	stream.indirect.scatter.add.f32 [tilespmem:s15], [sflag:$0x2], $0x80, s19, s14, $0xb8;
	[tilespmem:$0x1E800] =	vst v63  }
0x2c: {  	_ =	swait.ge [sflag:s10], $0x2800  }
0x2d: {  	s19 =	smov.u32 s21;
	[sflag:s10] =	ssyncset.done $0x0  }
0x2e: {  	s18 =	sshra.s32 s18, $0x2;
	[sflag:s10] =	ssyncadd.s32 $0xFFFFD800  }
0x2f: {  	[tilespmem:s15], [sflag:$0x1] =	stream.indirect.gather [hbm4b:s1+s14], $0x80, s18, s14, $0xb8;
	[tilespmem:$0x1E800] =	vst v63  }
0x30: {  	_ =	swait.ge [sflag:s16], $0x2800  }
0x31: {  	[sflag:s16] =	ssyncset.done $0x0  }
0x32: {  	s18 =	sadd.s32 $0x4000, s18;
	[sflag:s16] =	ssyncadd.s32 $0xFFFFD800  }
0x33: {  	[spmem:s3] =	stream.indirect.scatter.add.f32 [tilespmem:s15], [sflag:$0x2], $0x80, s18, s14, $0xb8;
	[tilespmem:$0x1E800] =	vst v63  }
0x34: {  	_ =	swait.ge [sflag:s10], $0x2800  }
0x35: {  	s17 =	sadd.s32 $0x1, s17;
	[sflag:s10] =	ssyncset.done $0x0  }
0x36: {  	p0 =	sne.s32 s17, s9;
	[sflag:s10] =	ssyncadd.s32 $0xFFFFD800  }
.Ltmp1:
0x37: {  	[bflag:$0x0] =	sbarrier.arrive $0xFFFF;
	(pc) =	sbr.rel @p0 .LBB2_1-.Ltmp1, $4  }
0x38: {  	[hbm:s8], [sflag:s12] =	dma.local [spmem:s13], $0x2800  }
0x39: {  	_ =	swait.ge [sflag:s10], $0x2800  }
0x3a: {  	[sflag:s10] =	ssyncset.done $0x0  }
0x3b: {  	[sflag:s10] =	ssyncadd.s32 $0xFFFFD800  }
0x3c: {  	_ =	sfence.sel $0x180000  }
0x3d: {  	[bflag:$0x0] =	sbarrier.arrive $0xFFFF  }
0x3e: {  	p0 =	sne.s32 s2, $0x0;
	_ =	strace $0x90000047  }
0x3f: {  	s0 =	sadd.s32 @!p0 $0x100000, s0;
	[bflag:$0x2] =	sbarrier.arrive $0xFFFF  }
0x40: {  	[sflag:s0] =	ssyncadd.tile.s32 @!p0 $0x1;
	_ =	shalt  }
.Lfunc_end2:
_tile_overlayer_lowered:
.L_overlay_start_2:
0x41: {  	(tag) =	ssettag $0x2  }
0x42: {  	s0 =	rddreg [dreg:$0x0];
	s2 =	stileid.u32  }
0x43: {  	s1 =	rddreg [dreg:$0x1];
	p0 =	sne.s32 s2, $0x0  }
0x44: {  	s3 =	rddreg [dreg:$0x2];
	[bflag:$0x3] =	sbarrier.arrive $0xFFFF;
	s2 =	simm.s32 @!p0 $0x1C02  }
0x45: {  	[timem:s3], [sflag:s2] =	dma.local @!p0 [hbm:s0], s1  }
0x46: {  	s0 =	simm.s32 @!p0 $0x2  }
0x47: {  	_ =	swait.ge @!p0 [sflag:s0], s1  }
0x48: {  	s1 =	ssub.s32 @!p0 $0x0, s1;
	[sflag:s0] =	ssyncset.done @!p0 $0x0  }
0x49: {  	[sflag:s0] =	ssyncadd.s32 @!p0 s1  }
0x4a: {  	[bflag:$0x3] =	sbarrier.arrive $0xFFFF  }
0x4b: {  	_ =	shalt  }

</sc_bundles>
